<compile_context>
chip_gen: v7x
topology: tpu7x:2x2x1
jax: 0.10.2.dev20260603
libtpu: 0.0.44.dev20260713+nightly
codegen_flags: <defaults>
</compile_context>

<pallas_src>
import functools

import jax
import jax.numpy as jnp
from jax import lax
from jax.experimental import pallas as pl
from jax.experimental.pallas import tpu as pltpu
from jax.experimental.pallas import tpu_sc as plsc

N = 10000
E = 320000
D = 128
ONES = 16
DE = D + ONES
NPAD = 10240
CHUNK = 64
WCH = 128
CPT_A = 133
CPT_B = 180
CPT_MAX = max(CPT_A, CPT_B)
NC, NS = 2, 16
NW = NC * NS
SC_ROWS_PER_TILE = NPAD // NS
E_PAD = NS * (CPT_A + CPT_B) * CHUNK
assert E_PAD >= E

MM_BLK = 1024
CB_BLK = 1000


def _vext_body(x_ref, w_ref, b_ref, o_ref):
    mm = lax.dot_general(x_ref[...], w_ref[...], (((1,), (1,)), ((), ())),
                         preferred_element_type=jnp.float32)
    mm = mm + b_ref[0, :][None, :]
    rid = pl.program_id(0) * MM_BLK + lax.broadcasted_iota(jnp.int32, (MM_BLK, 1), 0)
    valid = rid < N
    feat = jnp.where(valid, mm, 0.0)
    ones = jnp.where(jnp.broadcast_to(valid, (MM_BLK, ONES)), 1.0, 0.0)
    o_ref[...] = jnp.concatenate([feat, ones], axis=1)


_vext_call = pl.pallas_call(
    _vext_body,
    grid=(NPAD // MM_BLK,),
    in_specs=[
        pl.BlockSpec((MM_BLK, D), lambda i: (i, 0)),
        pl.BlockSpec((D, D), lambda i: (0, 0)),
        pl.BlockSpec((8, D), lambda i: (0, 0)),
    ],
    out_specs=pl.BlockSpec((MM_BLK, DE), lambda i: (i, 0)),
    out_shape=jax.ShapeDtypeStruct((NPAD, DE), jnp.float32),
)


NBUF = 4
LOOKAHEAD = 2


def _sc_body(v_hbm, row_hbm, col_hbm, out_hbm,
             idxr0, idxr1, idxr2, idxr3, idxc0, idxc1, idxc2, idxc3,
             rows0, rows1, rows2, rows3, agg,
             gsem0, gsem1, gsem2, gsem3, ssem0, ssem1, ssem2, ssem3):
    idxr = (idxr0, idxr1, idxr2, idxr3)
    idxc = (idxc0, idxc1, idxc2, idxc3)
    rows = (rows0, rows1, rows2, rows3)
    gsem = (gsem0, gsem1, gsem2, gsem3)
    ssem = (ssem0, ssem1, ssem2, ssem3)
    c = lax.axis_index("c")
    s = lax.axis_index("s")
    stripe = s * SC_ROWS_PER_TILE

    for kk in range(SC_ROWS_PER_TILE // WCH):
        pltpu.sync_copy(v_hbm.at[pl.ds(NPAD - WCH, WCH), :],
                        agg.at[pl.ds(stripe + kk * WCH, WCH), :])
    plsc.subcore_barrier()

    nch = lax.select(c == 0, CPT_A, CPT_B)
    base = lax.select(c == 0, s * (CPT_A * CHUNK),
                      NS * (CPT_A * CHUNK) + s * (CPT_B * CHUNK))

    for j in range(LOOKAHEAD):
        e0 = pl.multiple_of(base + j * CHUNK, CHUNK)
        pltpu.sync_copy(row_hbm.at[pl.ds(e0, CHUNK)], idxr[j])
        pltpu.sync_copy(col_hbm.at[pl.ds(e0, CHUNK)], idxc[j])
        pltpu.async_copy(v_hbm.at[idxr[j]], rows[j], gsem[j])

    def stage(k, b):
        b2 = (b + LOOKAHEAD) % NBUF

        @pl.when(k < nch)
        def _():
            pltpu.make_async_copy(v_hbm.at[idxr[b]], rows[b], gsem[b]).wait()

            @pl.when(k + LOOKAHEAD < nch)
            def _():
                @pl.when(k + LOOKAHEAD >= NBUF)
                def _():
                    pltpu.make_async_copy(
                        rows[b2], agg.at[idxc[b2]], ssem[b2]).wait()
                e1 = pl.multiple_of(base + (k + LOOKAHEAD) * CHUNK, CHUNK)
                pltpu.sync_copy(row_hbm.at[pl.ds(e1, CHUNK)], idxr[b2])
                pltpu.sync_copy(col_hbm.at[pl.ds(e1, CHUNK)], idxc[b2])
                pltpu.async_copy(v_hbm.at[idxr[b2]], rows[b2], gsem[b2])

            pltpu.async_copy(rows[b], agg.at[idxc[b]], ssem[b], add=True)

    def outer(i, carry):
        for b in range(NBUF):
            stage(NBUF * i + b, b)
        return carry

    lax.fori_loop(0, (CPT_MAX + NBUF - 1) // NBUF, outer, 0)
    for b in range(NBUF):
        pltpu.make_async_copy(rows[b], agg.at[idxc[b]], ssem[b]).wait()
    plsc.subcore_barrier()

    pltpu.sync_copy(agg.at[pl.ds(stripe, SC_ROWS_PER_TILE), :],
                    out_hbm.at[c, pl.ds(stripe, SC_ROWS_PER_TILE), :])


@functools.cache
def _sc_call():
    return pl.kernel(
        _sc_body,
        out_type=jax.ShapeDtypeStruct((NC, NPAD, DE), jnp.float32),
        mesh=plsc.VectorSubcoreMesh(core_axis_name="c", subcore_axis_name="s",
                                    num_cores=NC, num_subcores=NS),
        compiler_params=pltpu.CompilerParams(use_tc_tiling_on_sc=False),
        scratch_types=(
            [pltpu.VMEM((CHUNK,), jnp.int32)] * (2 * NBUF)
            + [pltpu.VMEM((CHUNK, DE), jnp.float32)] * NBUF
            + [pltpu.VMEM_SHARED((NPAD, DE), jnp.float32)]
            + [pltpu.SemaphoreType.DMA] * (2 * NBUF)
        ),
    )


def _combine_body(a_ref, b_ref, o_ref):
    sacc = a_ref[0] + b_ref[0]
    deg = sacc[:, D:D + 1]
    o_ref[...] = sacc[:, :D] / jnp.maximum(deg, 1.0)


_combine_call = pl.pallas_call(
    _combine_body,
    grid=(N // CB_BLK,),
    in_specs=[
        pl.BlockSpec((1, CB_BLK, DE), lambda i: (0, i, 0)),
        pl.BlockSpec((1, CB_BLK, DE), lambda i: (1, i, 0)),
    ],
    out_specs=pl.BlockSpec((CB_BLK, D), lambda i: (i, 0)),
    out_shape=jax.ShapeDtypeStruct((N, D), jnp.float32),
)


def kernel(x, edge_index, Wq, bq, Wk, bk, Wv, bv, attn):
    row = edge_index[0]
    col = edge_index[1]
    pad = jnp.full((E_PAD - E,), N, jnp.int32)
    row_p = jnp.concatenate([row, pad])
    col_p = jnp.concatenate([col, pad])
    x_p = jnp.pad(x, ((0, NPAD - N), (0, 0)))
    bv2 = jnp.broadcast_to(bv[None, :], (8, D))

    v_ext = _vext_call(x_p, Wv, bv2)
    partials = _sc_call()(v_ext, row_p, col_p)
    return _combine_call(partials, partials)

# --- scband reference (transcript-rebuilt; emitter-appended) ---
"""Pipeline reference for scband-custom-gatlayer-53309134078172 (READ-ONLY COPY).

The authoritative reference and input builder live on the scoring server;
editing this copy changes nothing except your own understanding.
"""

import jax, jax.numpy as jnp
import numpy as np

N = 10000
E = 320000
D_IN = 128
D_OUT = 128
H = 4
DH = D_OUT // H


def setup_inputs(seed: int = 0) -> dict:
    key = jax.random.key(seed)
    ks = jax.random.split(key, 10)
    x = jax.random.normal(ks[0], (N, D_IN), dtype=jnp.float32)
    edge_index = jax.random.randint(ks[1], (2, E), 0, N, dtype=jnp.int32)
    s_in = 1.0 / np.sqrt(D_IN)
    Wq = jax.random.uniform(ks[2], (D_OUT, D_IN), jnp.float32, -s_in, s_in)
    bq = jax.random.uniform(ks[3], (D_OUT,), jnp.float32, -s_in, s_in)
    Wk = jax.random.uniform(ks[4], (D_OUT, D_IN), jnp.float32, -s_in, s_in)
    bk = jax.random.uniform(ks[5], (D_OUT,), jnp.float32, -s_in, s_in)
    Wv = jax.random.uniform(ks[6], (D_OUT, D_IN), jnp.float32, -s_in, s_in)
    bv = jax.random.uniform(ks[7], (D_OUT,), jnp.float32, -s_in, s_in)
    attn = jax.random.normal(ks[8], (H, 2 * DH), dtype=jnp.float32)
    return {"x": x, "edge_index": edge_index, "Wq": Wq, "bq": bq, "Wk": Wk, "bk": bk, "Wv": Wv, "bv": bv, "attn": attn}


def reference(x, edge_index, Wq, bq, Wk, bk, Wv, bv, attn):
    num_nodes = x.shape[0]
    q = (x @ Wq.T + bq).reshape(num_nodes, H, DH)
    k = (x @ Wk.T + bk).reshape(num_nodes, H, DH)
    v = (x @ Wv.T + bv).reshape(num_nodes, H, DH)
    row = edge_index[0]
    col = edge_index[1]
    # per-edge attention logits: concat(q[src], k[dst]) . a_h  -> [E, H]
    edge_features = jnp.concatenate([q[row], k[col]], axis=-1)  # [E, H, 2*DH]
    scores = jnp.sum(edge_features * attn[None, :, :], axis=-1)  # [E, H]
    scores = jax.nn.leaky_relu(scores, negative_slope=0.2)
    # softmax over incoming edges of each dst node (segment softmax over col)
    seg_max = jax.ops.segment_max(scores, col, num_segments=num_nodes)  # [N, H]
    seg_max = jnp.where(jnp.isfinite(seg_max), seg_max, 0.0)
    ex = jnp.exp(scores - seg_max[col])
    seg_sum = jax.ops.segment_sum(ex, col, num_segments=num_nodes)  # [N, H]
    w_edge = ex / jnp.maximum(seg_sum[col], 1e-38)  # [E, H]
    # attention_weights[i] = mean over incoming edges of softmax weights
    deg = jax.ops.segment_sum(jnp.ones((E,), jnp.float32), col, num_segments=num_nodes)  # [N]
    w_sum = jax.ops.segment_sum(w_edge, col, num_segments=num_nodes)  # [N, H]
    attention_weights = jnp.where(deg[:, None] > 0, w_sum / jnp.maximum(deg[:, None], 1.0), 0.0)
    # output[dst] += attention_weights[dst] * v[src] over all edges
    agg = jax.ops.segment_sum(v[row], col, num_segments=num_nodes)  # [N, H, DH]
    output = attention_weights[:, :, None] * agg
    # dropout is identity in eval mode
    return output.reshape(num_nodes, D_OUT)

if __name__ == "__main__":
    import jax
    _d = setup_inputs()
    print(jax.jit(kernel)(*tuple(_d.values())))

</pallas_src>

<mosaic_0001>
#map = affine_map<(d0, d1) -> (0, 0)>
#map1 = affine_map<(d0, d1) -> (0)>
#map2 = affine_map<(d0, d1) -> (0, 0, 0)>
module attributes {stable_mosaic.version = 14 : i64} {
  func.func @_sc_body(%arg0: i32, %arg1: i32, %arg2: memref<10240x144xf32, #tpu.memory_space<hbm>>, %arg3: memref<320512xi32, #tpu.memory_space<hbm>>, %arg4: memref<320512xi32, #tpu.memory_space<hbm>>, %arg5: memref<2x10240x144xf32, #tpu.memory_space<hbm>>, %arg6: memref<64xi32, #tpu.memory_space<vmem>>, %arg7: memref<64xi32, #tpu.memory_space<vmem>>, %arg8: memref<64xi32, #tpu.memory_space<vmem>>, %arg9: memref<64xi32, #tpu.memory_space<vmem>>, %arg10: memref<64xi32, #tpu.memory_space<vmem>>, %arg11: memref<64xi32, #tpu.memory_space<vmem>>, %arg12: memref<64xi32, #tpu.memory_space<vmem>>, %arg13: memref<64xi32, #tpu.memory_space<vmem>>, %arg14: memref<64x144xf32, #tpu.memory_space<vmem>>, %arg15: memref<64x144xf32, #tpu.memory_space<vmem>>, %arg16: memref<64x144xf32, #tpu.memory_space<vmem>>, %arg17: memref<64x144xf32, #tpu.memory_space<vmem>>, %arg18: memref<10240x144xf32, #tpu.memory_space<vmem_shared>>, %arg19: memref<!tpu.dma_semaphore, #tpu.memory_space<semaphore_mem>>, %arg20: memref<!tpu.dma_semaphore, #tpu.memory_space<semaphore_mem>>, %arg21: memref<!tpu.dma_semaphore, #tpu.memory_space<semaphore_mem>>, %arg22: memref<!tpu.dma_semaphore, #tpu.memory_space<semaphore_mem>>, %arg23: memref<!tpu.dma_semaphore, #tpu.memory_space<semaphore_mem>>, %arg24: memref<!tpu.dma_semaphore, #tpu.memory_space<semaphore_mem>>, %arg25: memref<!tpu.dma_semaphore, #tpu.memory_space<semaphore_mem>>, %arg26: memref<!tpu.dma_semaphore, #tpu.memory_space<semaphore_mem>>) attributes {dimension_semantics = [#tpu.dimension_semantics<core_parallel>, #tpu.dimension_semantics<subcore_parallel>], iteration_bounds = array<i64: 2, 16>, scalar_prefetch = 0 : i64, scratch_operands = 21 : i64, tpu.core_type = #tpu.core_type<sc_vector_subcore>, window_params = [{transform_indices = #map}, {transform_indices = #map1}, {transform_indices = #map1}, {transform_indices = #map2}]} {
    %mul3A = arith.constant 640 : i32
    %mul3A_0 = arith.muli %arg1, %mul3A : i32
    %add3A = arith.constant 0 : i32
    %add3A_1 = arith.addi %mul3A_0, %add3A : i32
    "tpu.region"() ({
      %run_scoped3A = tpu.sem_alloc : memref<!tpu.dma_semaphore, #tpu.memory_space<semaphore_mem>>
      %dma_start3A_49 = arith.constant 0 : i32
      %dma_start3A_50 = tpu.memref_slice %arg18[%add3A_1, %dma_start3A_49] : memref<10240x144xf32, #tpu.memory_space<vmem_shared>> -> memref<128x144xf32, #tpu.memory_space<vmem_shared>>
      %dma_start3A_51 = arith.constant 10112 : i32
      %dma_start3A_52 = arith.constant 0 : i32
      %dma_start3A_53 = tpu.memref_slice %arg2[%dma_start3A_51, %dma_start3A_52] : memref<10240x144xf32, #tpu.memory_space<hbm>> -> memref<128x144xf32, #tpu.memory_space<hbm>>
      tpu.enqueue_dma source(%dma_start3A_53 : memref<128x144xf32, #tpu.memory_space<hbm>>) target(%dma_start3A_50 : memref<128x144xf32, #tpu.memory_space<vmem_shared>>) target_semaphore(%run_scoped3A : memref<!tpu.dma_semaphore, #tpu.memory_space<semaphore_mem>>)
      %dma_wait3A_54 = arith.constant 0 : i32
      %dma_wait3A_55 = tpu.memref_slice %arg18[%add3A_1, %dma_wait3A_54] : memref<10240x144xf32, #tpu.memory_space<vmem_shared>> -> memref<128x144xf32, #tpu.memory_space<vmem_shared>>
      %dma_wait3A_56 = arith.constant 10112 : i32
      %dma_wait3A_57 = arith.constant 0 : i32
      %dma_wait3A_58 = tpu.memref_slice %arg2[%dma_wait3A_56, %dma_wait3A_57] : memref<10240x144xf32, #tpu.memory_space<hbm>> -> memref<128x144xf32, #tpu.memory_space<hbm>>
      tpu.wait_dma2 semaphore(%run_scoped3A : memref<!tpu.dma_semaphore, #tpu.memory_space<semaphore_mem>>) src(%dma_wait3A_58 : memref<128x144xf32, #tpu.memory_space<hbm>>) dst(%dma_wait3A_55 : memref<128x144xf32, #tpu.memory_space<vmem_shared>>)
      tpu.yield
    }) : () -> ()
    %add3A_2 = arith.constant 128 : i32
    %add3A_3 = arith.addi %mul3A_0, %add3A_2 : i32
    "tpu.region"() ({
      %run_scoped3A = tpu.sem_alloc : memref<!tpu.dma_semaphore, #tpu.memory_space<semaphore_mem>>
      %dma_start3A_49 = arith.constant 0 : i32
      %dma_start3A_50 = tpu.memref_slice %arg18[%add3A_3, %dma_start3A_49] : memref<10240x144xf32, #tpu.memory_space<vmem_shared>> -> memref<128x144xf32, #tpu.memory_space<vmem_shared>>
      %dma_start3A_51 = arith.constant 10112 : i32
      %dma_start3A_52 = arith.constant 0 : i32
      %dma_start3A_53 = tpu.memref_slice %arg2[%dma_start3A_51, %dma_start3A_52] : memref<10240x144xf32, #tpu.memory_space<hbm>> -> memref<128x144xf32, #tpu.memory_space<hbm>>
      tpu.enqueue_dma source(%dma_start3A_53 : memref<128x144xf32, #tpu.memory_space<hbm>>) target(%dma_start3A_50 : memref<128x144xf32, #tpu.memory_space<vmem_shared>>) target_semaphore(%run_scoped3A : memref<!tpu.dma_semaphore, #tpu.memory_space<semaphore_mem>>)
      %dma_wait3A_54 = arith.constant 0 : i32
      %dma_wait3A_55 = tpu.memref_slice %arg18[%add3A_3, %dma_wait3A_54] : memref<10240x144xf32, #tpu.memory_space<vmem_shared>> -> memref<128x144xf32, #tpu.memory_space<vmem_shared>>
      %dma_wait3A_56 = arith.constant 10112 : i32
      %dma_wait3A_57 = arith.constant 0 : i32
      %dma_wait3A_58 = tpu.memref_slice %arg2[%dma_wait3A_56, %dma_wait3A_57] : memref<10240x144xf32, #tpu.memory_space<hbm>> -> memref<128x144xf32, #tpu.memory_space<hbm>>
      tpu.wait_dma2 semaphore(%run_scoped3A : memref<!tpu.dma_semaphore, #tpu.memory_space<semaphore_mem>>) src(%dma_wait3A_58 : memref<128x144xf32, #tpu.memory_space<hbm>>) dst(%dma_wait3A_55 : memref<128x144xf32, #tpu.memory_space<vmem_shared>>)
      tpu.yield
    }) : () -> ()
    %add3A_4 = arith.constant 256 : i32
    %add3A_5 = arith.addi %mul3A_0, %add3A_4 : i32
    "tpu.region"() ({
      %run_scoped3A = tpu.sem_alloc : memref<!tpu.dma_semaphore, #tpu.memory_space<semaphore_mem>>
      %dma_start3A_49 = arith.constant 0 : i32
      %dma_start3A_50 = tpu.memref_slice %arg18[%add3A_5, %dma_start3A_49] : memref<10240x144xf32, #tpu.memory_space<vmem_shared>> -> memref<128x144xf32, #tpu.memory_space<vmem_shared>>
      %dma_start3A_51 = arith.constant 10112 : i32
      %dma_start3A_52 = arith.constant 0 : i32
      %dma_start3A_53 = tpu.memref_slice %arg2[%dma_start3A_51, %dma_start3A_52] : memref<10240x144xf32, #tpu.memory_space<hbm>> -> memref<128x144xf32, #tpu.memory_space<hbm>>
      tpu.enqueue_dma source(%dma_start3A_53 : memref<128x144xf32, #tpu.memory_space<hbm>>) target(%dma_start3A_50 : memref<128x144xf32, #tpu.memory_space<vmem_shared>>) target_semaphore(%run_scoped3A : memref<!tpu.dma_semaphore, #tpu.memory_space<semaphore_mem>>)
      %dma_wait3A_54 = arith.constant 0 : i32
      %dma_wait3A_55 = tpu.memref_slice %arg18[%add3A_5, %dma_wait3A_54] : memref<10240x144xf32, #tpu.memory_space<vmem_shared>> -> memref<128x144xf32, #tpu.memory_space<vmem_shared>>
      %dma_wait3A_56 = arith.constant 10112 : i32
      %dma_wait3A_57 = arith.constant 0 : i32
      %dma_wait3A_58 = tpu.memref_slice %arg2[%dma_wait3A_56, %dma_wait3A_57] : memref<10240x144xf32, #tpu.memory_space<hbm>> -> memref<128x144xf32, #tpu.memory_space<hbm>>
      tpu.wait_dma2 semaphore(%run_scoped3A : memref<!tpu.dma_semaphore, #tpu.memory_space<semaphore_mem>>) src(%dma_wait3A_58 : memref<128x144xf32, #tpu.memory_space<hbm>>) dst(%dma_wait3A_55 : memref<128x144xf32, #tpu.memory_space<vmem_shared>>)
      tpu.yield
    }) : () -> ()
    %add3A_6 = arith.constant 384 : i32
    %add3A_7 = arith.addi %mul3A_0, %add3A_6 : i32
    "tpu.region"() ({
      %run_scoped3A = tpu.sem_alloc : memref<!tpu.dma_semaphore, #tpu.memory_space<semaphore_mem>>
      %dma_start3A_49 = arith.constant 0 : i32
      %dma_start3A_50 = tpu.memref_slice %arg18[%add3A_7, %dma_start3A_49] : memref<10240x144xf32, #tpu.memory_space<vmem_shared>> -> memref<128x144xf32, #tpu.memory_space<vmem_shared>>
      %dma_start3A_51 = arith.constant 10112 : i32
      %dma_start3A_52 = arith.constant 0 : i32
      %dma_start3A_53 = tpu.memref_slice %arg2[%dma_start3A_51, %dma_start3A_52] : memref<10240x144xf32, #tpu.memory_space<hbm>> -> memref<128x144xf32, #tpu.memory_space<hbm>>
      tpu.enqueue_dma source(%dma_start3A_53 : memref<128x144xf32, #tpu.memory_space<hbm>>) target(%dma_start3A_50 : memref<128x144xf32, #tpu.memory_space<vmem_shared>>) target_semaphore(%run_scoped3A : memref<!tpu.dma_semaphore, #tpu.memory_space<semaphore_mem>>)
      %dma_wait3A_54 = arith.constant 0 : i32
      %dma_wait3A_55 = tpu.memref_slice %arg18[%add3A_7, %dma_wait3A_54] : memref<10240x144xf32, #tpu.memory_space<vmem_shared>> -> memref<128x144xf32, #tpu.memory_space<vmem_shared>>
      %dma_wait3A_56 = arith.constant 10112 : i32
      %dma_wait3A_57 = arith.constant 0 : i32
      %dma_wait3A_58 = tpu.memref_slice %arg2[%dma_wait3A_56, %dma_wait3A_57] : memref<10240x144xf32, #tpu.memory_space<hbm>> -> memref<128x144xf32, #tpu.memory_space<hbm>>
      tpu.wait_dma2 semaphore(%run_scoped3A : memref<!tpu.dma_semaphore, #tpu.memory_space<semaphore_mem>>) src(%dma_wait3A_58 : memref<128x144xf32, #tpu.memory_space<hbm>>) dst(%dma_wait3A_55 : memref<128x144xf32, #tpu.memory_space<vmem_shared>>)
      tpu.yield
    }) : () -> ()
    %add3A_8 = arith.constant 512 : i32
    %add3A_9 = arith.addi %mul3A_0, %add3A_8 : i32
    "tpu.region"() ({
      %run_scoped3A = tpu.sem_alloc : memref<!tpu.dma_semaphore, #tpu.memory_space<semaphore_mem>>
      %dma_start3A_49 = arith.constant 0 : i32
      %dma_start3A_50 = tpu.memref_slice %arg18[%add3A_9, %dma_start3A_49] : memref<10240x144xf32, #tpu.memory_space<vmem_shared>> -> memref<128x144xf32, #tpu.memory_space<vmem_shared>>
      %dma_start3A_51 = arith.constant 10112 : i32
      %dma_start3A_52 = arith.constant 0 : i32
      %dma_start3A_53 = tpu.memref_slice %arg2[%dma_start3A_51, %dma_start3A_52] : memref<10240x144xf32, #tpu.memory_space<hbm>> -> memref<128x144xf32, #tpu.memory_space<hbm>>
      tpu.enqueue_dma source(%dma_start3A_53 : memref<128x144xf32, #tpu.memory_space<hbm>>) target(%dma_start3A_50 : memref<128x144xf32, #tpu.memory_space<vmem_shared>>) target_semaphore(%run_scoped3A : memref<!tpu.dma_semaphore, #tpu.memory_space<semaphore_mem>>)
      %dma_wait3A_54 = arith.constant 0 : i32
      %dma_wait3A_55 = tpu.memref_slice %arg18[%add3A_9, %dma_wait3A_54] : memref<10240x144xf32, #tpu.memory_space<vmem_shared>> -> memref<128x144xf32, #tpu.memory_space<vmem_shared>>
      %dma_wait3A_56 = arith.constant 10112 : i32
      %dma_wait3A_57 = arith.constant 0 : i32
      %dma_wait3A_58 = tpu.memref_slice %arg2[%dma_wait3A_56, %dma_wait3A_57] : memref<10240x144xf32, #tpu.memory_space<hbm>> -> memref<128x144xf32, #tpu.memory_space<hbm>>
      tpu.wait_dma2 semaphore(%run_scoped3A : memref<!tpu.dma_semaphore, #tpu.memory_space<semaphore_mem>>) src(%dma_wait3A_58 : memref<128x144xf32, #tpu.memory_space<hbm>>) dst(%dma_wait3A_55 : memref<128x144xf32, #tpu.memory_space<vmem_shared>>)
      tpu.yield
    }) : () -> ()
    %barrier3A = arith.constant 0 : index
    tpu.barrier barrier_id(%barrier3A)
    %eq3A = arith.constant 0 : i32
    %eq3A_10 = arith.cmpi eq, %arg0, %eq3A : i32
    %select_n3A = arith.constant 180 : i32
    %select_n3A_11 = arith.constant 133 : i32
    %select_n3A_12 = arith.select %eq3A_10, %select_n3A_11, %select_n3A : i32
    %eq3A_13 = arith.constant 0 : i32
    %eq3A_14 = arith.cmpi eq, %arg0, %eq3A_13 : i32
    %mul3A_15 = arith.constant 8512 : i32
    %mul3A_16 = arith.muli %arg1, %mul3A_15 : i32
    %mul3A_17 = arith.constant 11520 : i32
    %mul3A_18 = arith.muli %arg1, %mul3A_17 : i32
    %add3A_19 = arith.constant 136192 : i32
    %add3A_20 = arith.addi %add3A_19, %mul3A_18 : i32
    %select_n3A_21 = arith.select %eq3A_14, %mul3A_16, %add3A_20 : i32
    %add3A_22 = arith.constant 0 : i32
    %add3A_23 = arith.addi %select_n3A_21, %add3A_22 : i32
    %multiple_of3A = tpu.assume_multiple %add3A_23, 64 : i32
    "tpu.region"() ({
      %run_scoped3A = tpu.sem_alloc : memref<!tpu.dma_semaphore, #tpu.memory_space<semaphore_mem>>
      %dma_start3A_49 = tpu.memref_slice %arg3[%multiple_of3A] : memref<320512xi32, #tpu.memory_space<hbm>> -> memref<64xi32, #tpu.memory_space<hbm>>
      %dma_start3A_50 = tpu.memref_slice %arg3[%multiple_of3A] : memref<320512xi32, #tpu.memory_space<hbm>> -> memref<64xi32, #tpu.memory_space<hbm>>
      tpu.enqueue_dma source(%dma_start3A_50 : memref<64xi32, #tpu.memory_space<hbm>>) target(%arg6 : memref<64xi32, #tpu.memory_space<vmem>>) target_semaphore(%run_scoped3A : memref<!tpu.dma_semaphore, #tpu.memory_space<semaphore_mem>>)
      %dma_wait3A_51 = tpu.memref_slice %arg3[%multiple_of3A] : memref<320512xi32, #tpu.memory_space<hbm>> -> memref<64xi32, #tpu.memory_space<hbm>>
      %dma_wait3A_52 = tpu.memref_slice %arg3[%multiple_of3A] : memref<320512xi32, #tpu.memory_space<hbm>> -> memref<64xi32, #tpu.memory_space<hbm>>
      tpu.wait_dma2 semaphore(%run_scoped3A : memref<!tpu.dma_semaphore, #tpu.memory_space<semaphore_mem>>) src(%dma_wait3A_52 : memref<64xi32, #tpu.memory_space<hbm>>) dst(%arg6 : memref<64xi32, #tpu.memory_space<vmem>>)
      tpu.yield
    }) : () -> ()
    "tpu.region"() ({
      %run_scoped3A = tpu.sem_alloc : memref<!tpu.dma_semaphore, #tpu.memory_space<semaphore_mem>>
      %dma_start3A_49 = tpu.memref_slice %arg4[%multiple_of3A] : memref<320512xi32, #tpu.memory_space<hbm>> -> memref<64xi32, #tpu.memory_space<hbm>>
      %dma_start3A_50 = tpu.memref_slice %arg4[%multiple_of3A] : memref<320512xi32, #tpu.memory_space<hbm>> -> memref<64xi32, #tpu.memory_space<hbm>>
      tpu.enqueue_dma source(%dma_start3A_50 : memref<64xi32, #tpu.memory_space<hbm>>) target(%arg10 : memref<64xi32, #tpu.memory_space<vmem>>) target_semaphore(%run_scoped3A : memref<!tpu.dma_semaphore, #tpu.memory_space<semaphore_mem>>)
      %dma_wait3A_51 = tpu.memref_slice %arg4[%multiple_of3A] : memref<320512xi32, #tpu.memory_space<hbm>> -> memref<64xi32, #tpu.memory_space<hbm>>
      %dma_wait3A_52 = tpu.memref_slice %arg4[%multiple_of3A] : memref<320512xi32, #tpu.memory_space<hbm>> -> memref<64xi32, #tpu.memory_space<hbm>>
      tpu.wait_dma2 semaphore(%run_scoped3A : memref<!tpu.dma_semaphore, #tpu.memory_space<semaphore_mem>>) src(%dma_wait3A_52 : memref<64xi32, #tpu.memory_space<hbm>>) dst(%arg10 : memref<64xi32, #tpu.memory_space<vmem>>)
      tpu.yield
    }) : () -> ()
    %dma_start3A = arith.constant 0 : i32
    %dma_start3A_24 = arith.constant 0 : i32
    %dma_start3A_25 = tpu.memref_slice %arg2[%dma_start3A, %dma_start3A_24] : memref<10240x144xf32, #tpu.memory_space<hbm>> -> memref<10240x144xf32, #tpu.memory_space<hbm>>
    tpu.enqueue_indirect_dma source(%dma_start3A_25 : memref<10240x144xf32, #tpu.memory_space<hbm>>) target(%arg14 : memref<64x144xf32, #tpu.memory_space<vmem>>) offsets(%arg6 : memref<64xi32, #tpu.memory_space<vmem>>) semaphore(%arg19 : memref<!tpu.dma_semaphore, #tpu.memory_space<semaphore_mem>>)
    %add3A_26 = arith.constant 64 : i32
    %add3A_27 = arith.addi %select_n3A_21, %add3A_26 : i32
    %multiple_of3A_28 = tpu.assume_multiple %add3A_27, 64 : i32
    "tpu.region"() ({
      %run_scoped3A = tpu.sem_alloc : memref<!tpu.dma_semaphore, #tpu.memory_space<semaphore_mem>>
      %dma_start3A_49 = tpu.memref_slice %arg3[%multiple_of3A_28] : memref<320512xi32, #tpu.memory_space<hbm>> -> memref<64xi32, #tpu.memory_space<hbm>>
      %dma_start3A_50 = tpu.memref_slice %arg3[%multiple_of3A_28] : memref<320512xi32, #tpu.memory_space<hbm>> -> memref<64xi32, #tpu.memory_space<hbm>>
      tpu.enqueue_dma source(%dma_start3A_50 : memref<64xi32, #tpu.memory_space<hbm>>) target(%arg7 : memref<64xi32, #tpu.memory_space<vmem>>) target_semaphore(%run_scoped3A : memref<!tpu.dma_semaphore, #tpu.memory_space<semaphore_mem>>)
      %dma_wait3A_51 = tpu.memref_slice %arg3[%multiple_of3A_28] : memref<320512xi32, #tpu.memory_space<hbm>> -> memref<64xi32, #tpu.memory_space<hbm>>
      %dma_wait3A_52 = tpu.memref_slice %arg3[%multiple_of3A_28] : memref<320512xi32, #tpu.memory_space<hbm>> -> memref<64xi32, #tpu.memory_space<hbm>>
      tpu.wait_dma2 semaphore(%run_scoped3A : memref<!tpu.dma_semaphore, #tpu.memory_space<semaphore_mem>>) src(%dma_wait3A_52 : memref<64xi32, #tpu.memory_space<hbm>>) dst(%arg7 : memref<64xi32, #tpu.memory_space<vmem>>)
      tpu.yield
    }) : () -> ()
    "tpu.region"() ({
      %run_scoped3A = tpu.sem_alloc : memref<!tpu.dma_semaphore, #tpu.memory_space<semaphore_mem>>
      %dma_start3A_49 = tpu.memref_slice %arg4[%multiple_of3A_28] : memref<320512xi32, #tpu.memory_space<hbm>> -> memref<64xi32, #tpu.memory_space<hbm>>
      %dma_start3A_50 = tpu.memref_slice %arg4[%multiple_of3A_28] : memref<320512xi32, #tpu.memory_space<hbm>> -> memref<64xi32, #tpu.memory_space<hbm>>
      tpu.enqueue_dma source(%dma_start3A_50 : memref<64xi32, #tpu.memory_space<hbm>>) target(%arg11 : memref<64xi32, #tpu.memory_space<vmem>>) target_semaphore(%run_scoped3A : memref<!tpu.dma_semaphore, #tpu.memory_space<semaphore_mem>>)
      %dma_wait3A_51 = tpu.memref_slice %arg4[%multiple_of3A_28] : memref<320512xi32, #tpu.memory_space<hbm>> -> memref<64xi32, #tpu.memory_space<hbm>>
      %dma_wait3A_52 = tpu.memref_slice %arg4[%multiple_of3A_28] : memref<320512xi32, #tpu.memory_space<hbm>> -> memref<64xi32, #tpu.memory_space<hbm>>
      tpu.wait_dma2 semaphore(%run_scoped3A : memref<!tpu.dma_semaphore, #tpu.memory_space<semaphore_mem>>) src(%dma_wait3A_52 : memref<64xi32, #tpu.memory_space<hbm>>) dst(%arg11 : memref<64xi32, #tpu.memory_space<vmem>>)
      tpu.yield
    }) : () -> ()
    %dma_start3A_29 = arith.constant 0 : i32
    %dma_start3A_30 = arith.constant 0 : i32
    %dma_start3A_31 = tpu.memref_slice %arg2[%dma_start3A_29, %dma_start3A_30] : memref<10240x144xf32, #tpu.memory_space<hbm>> -> memref<10240x144xf32, #tpu.memory_space<hbm>>
    tpu.enqueue_indirect_dma source(%dma_start3A_31 : memref<10240x144xf32, #tpu.memory_space<hbm>>) target(%arg15 : memref<64x144xf32, #tpu.memory_space<vmem>>) offsets(%arg7 : memref<64xi32, #tpu.memory_space<vmem>>) semaphore(%arg20 : memref<!tpu.dma_semaphore, #tpu.memory_space<semaphore_mem>>)
    %scan3A = arith.constant 0 : i32
    %scan3A_32 = arith.constant 0 : i32
    %scan3A_33 = arith.constant 45 : i32
    %scan3A_34 = arith.addi %scan3A_32, %scan3A_33 : i32
    %scan3A_35 = arith.constant 1 : i32
    scf.for %scan3A_49 = %scan3A_32 to %scan3A_34 step %scan3A_35  : i32 {
      %mul3A_50 = arith.constant 4 : i32
      %mul3A_51 = arith.muli %mul3A_50, %scan3A_49 : i32
      %add3A_52 = arith.constant 0 : i32
      %add3A_53 = arith.addi %mul3A_51, %add3A_52 : i32
      %lt3A = arith.cmpi slt, %add3A_53, %select_n3A_12 : i32
      %convert_element_type3A = arith.extui %lt3A : i1 to i32
      %cond3A = arith.constant 0 : i32
      %cond3A_54 = arith.cmpi ne, %convert_element_type3A, %cond3A : i32
      scf.if %cond3A_54 {
        %dma_wait3A_79 = arith.constant 0 : i32
        %dma_wait3A_80 = arith.constant 0 : i32
        %dma_wait3A_81 = tpu.memref_slice %arg2[%dma_wait3A_79, %dma_wait3A_80] : memref<10240x144xf32, #tpu.memory_space<hbm>> -> memref<10240x144xf32, #tpu.memory_space<hbm>>
        tpu.wait_indirect_dma semaphore(%arg19 : memref<!tpu.dma_semaphore, #tpu.memory_space<semaphore_mem>>) src(%dma_wait3A_81 : memref<10240x144xf32, #tpu.memory_space<hbm>>) dst(%arg14 : memref<64x144xf32, #tpu.memory_space<vmem>>)
        %add3A_82 = arith.constant 2 : i32
        %add3A_83 = arith.addi %add3A_53, %add3A_82 : i32
        %lt3A_84 = arith.cmpi slt, %add3A_83, %select_n3A_12 : i32
        %convert_element_type3A_85 = arith.extui %lt3A_84 : i1 to i32
        %cond3A_86 = arith.constant 0 : i32
        %cond3A_87 = arith.cmpi ne, %convert_element_type3A_85, %cond3A_86 : i32
        scf.if %cond3A_87 {
          %add3A_91 = arith.constant 2 : i32
          %add3A_92 = arith.addi %add3A_53, %add3A_91 : i32
          %ge3A = arith.constant 4 : i32
          %ge3A_93 = arith.cmpi sge, %add3A_92, %ge3A : i32
          %convert_element_type3A_94 = arith.extui %ge3A_93 : i1 to i32
          %cond3A_95 = arith.constant 0 : i32
          %cond3A_96 = arith.cmpi ne, %convert_element_type3A_94, %cond3A_95 : i32
          scf.if %cond3A_96 {
            %dma_wait3A_106 = arith.constant 0 : i32
            %dma_wait3A_107 = arith.constant 0 : i32
            %dma_wait3A_108 = tpu.memref_slice %arg18[%dma_wait3A_106, %dma_wait3A_107] : memref<10240x144xf32, #tpu.memory_space<vmem_shared>> -> memref<10240x144xf32, #tpu.memory_space<vmem_shared>>
            tpu.wait_indirect_dma semaphore(%arg25 : memref<!tpu.dma_semaphore, #tpu.memory_space<semaphore_mem>>) src(%arg16 : memref<64x144xf32, #tpu.memory_space<vmem>>) dst(%dma_wait3A_108 : memref<10240x144xf32, #tpu.memory_space<vmem_shared>>)
          } else {
          }
          %add3A_97 = arith.constant 2 : i32
          %add3A_98 = arith.addi %add3A_53, %add3A_97 : i32
          %mul3A_99 = arith.constant 64 : i32
          %mul3A_100 = arith.muli %add3A_98, %mul3A_99 : i32
          %add3A_101 = arith.addi %select_n3A_21, %mul3A_100 : i32
          %multiple_of3A_102 = tpu.assume_multiple %add3A_101, 64 : i32
          "tpu.region"() ({
            %run_scoped3A = tpu.sem_alloc : memref<!tpu.dma_semaphore, #tpu.memory_space<semaphore_mem>>
            %dma_start3A_106 = tpu.memref_slice %arg3[%multiple_of3A_102] : memref<320512xi32, #tpu.memory_space<hbm>> -> memref<64xi32, #tpu.memory_space<hbm>>
            %dma_start3A_107 = tpu.memref_slice %arg3[%multiple_of3A_102] : memref<320512xi32, #tpu.memory_space<hbm>> -> memref<64xi32, #tpu.memory_space<hbm>>
            tpu.enqueue_dma source(%dma_start3A_107 : memref<64xi32, #tpu.memory_space<hbm>>) target(%arg8 : memref<64xi32, #tpu.memory_space<vmem>>) target_semaphore(%run_scoped3A : memref<!tpu.dma_semaphore, #tpu.memory_space<semaphore_mem>>)
            %dma_wait3A_108 = tpu.memref_slice %arg3[%multiple_of3A_102] : memref<320512xi32, #tpu.memory_space<hbm>> -> memref<64xi32, #tpu.memory_space<hbm>>
            %dma_wait3A_109 = tpu.memref_slice %arg3[%multiple_of3A_102] : memref<320512xi32, #tpu.memory_space<hbm>> -> memref<64xi32, #tpu.memory_space<hbm>>
            tpu.wait_dma2 semaphore(%run_scoped3A : memref<!tpu.dma_semaphore, #tpu.memory_space<semaphore_mem>>) src(%dma_wait3A_109 : memref<64xi32, #tpu.memory_space<hbm>>) dst(%arg8 : memref<64xi32, #tpu.memory_space<vmem>>)
            tpu.yield
          }) : () -> ()
          "tpu.region"() ({
            %run_scoped3A = tpu.sem_alloc : memref<!tpu.dma_semaphore, #tpu.memory_space<semaphore_mem>>
            %dma_start3A_106 = tpu.memref_slice %arg4[%multiple_of3A_102] : memref<320512xi32, #tpu.memory_space<hbm>> -> memref<64xi32, #tpu.memory_space<hbm>>
            %dma_start3A_107 = tpu.memref_slice %arg4[%multiple_of3A_102] : memref<320512xi32, #tpu.memory_space<hbm>> -> memref<64xi32, #tpu.memory_space<hbm>>
            tpu.enqueue_dma source(%dma_start3A_107 : memref<64xi32, #tpu.memory_space<hbm>>) target(%arg12 : memref<64xi32, #tpu.memory_space<vmem>>) target_semaphore(%run_scoped3A : memref<!tpu.dma_semaphore, #tpu.memory_space<semaphore_mem>>)
            %dma_wait3A_108 = tpu.memref_slice %arg4[%multiple_of3A_102] : memref<320512xi32, #tpu.memory_space<hbm>> -> memref<64xi32, #tpu.memory_space<hbm>>
            %dma_wait3A_109 = tpu.memref_slice %arg4[%multiple_of3A_102] : memref<320512xi32, #tpu.memory_space<hbm>> -> memref<64xi32, #tpu.memory_space<hbm>>
            tpu.wait_dma2 semaphore(%run_scoped3A : memref<!tpu.dma_semaphore, #tpu.memory_space<semaphore_mem>>) src(%dma_wait3A_109 : memref<64xi32, #tpu.memory_space<hbm>>) dst(%arg12 : memref<64xi32, #tpu.memory_space<vmem>>)
            tpu.yield
          }) : () -> ()
          %dma_start3A_103 = arith.constant 0 : i32
          %dma_start3A_104 = arith.constant 0 : i32
          %dma_start3A_105 = tpu.memref_slice %arg2[%dma_start3A_103, %dma_start3A_104] : memref<10240x144xf32, #tpu.memory_space<hbm>> -> memref<10240x144xf32, #tpu.memory_space<hbm>>
          tpu.enqueue_indirect_dma source(%dma_start3A_105 : memref<10240x144xf32, #tpu.memory_space<hbm>>) target(%arg16 : memref<64x144xf32, #tpu.memory_space<vmem>>) offsets(%arg8 : memref<64xi32, #tpu.memory_space<vmem>>) semaphore(%arg21 : memref<!tpu.dma_semaphore, #tpu.memory_space<semaphore_mem>>)
        } else {
        }
        %dma_start3A_88 = arith.constant 0 : i32
        %dma_start3A_89 = arith.constant 0 : i32
        %dma_start3A_90 = tpu.memref_slice %arg18[%dma_start3A_88, %dma_start3A_89] : memref<10240x144xf32, #tpu.memory_space<vmem_shared>> -> memref<10240x144xf32, #tpu.memory_space<vmem_shared>>
        tpu.enqueue_indirect_dma source(%arg14 : memref<64x144xf32, #tpu.memory_space<vmem>>) target(%dma_start3A_90 : memref<10240x144xf32, #tpu.memory_space<vmem_shared>>) offsets(%arg10 : memref<64xi32, #tpu.memory_space<vmem>>) semaphore(%arg23 : memref<!tpu.dma_semaphore, #tpu.memory_space<semaphore_mem>>) {add = true}
      } else {
      }
      %mul3A_55 = arith.constant 4 : i32
      %mul3A_56 = arith.muli %mul3A_55, %scan3A_49 : i32
      %add3A_57 = arith.constant 1 : i32
      %add3A_58 = arith.addi %mul3A_56, %add3A_57 : i32
      %lt3A_59 = arith.cmpi slt, %add3A_58, %select_n3A_12 : i32
      %convert_element_type3A_60 = arith.extui %lt3A_59 : i1 to i32
      %cond3A_61 = arith.constant 0 : i32
      %cond3A_62 = arith.cmpi ne, %convert_element_type3A_60, %cond3A_61 : i32
      scf.if %cond3A_62 {
        %dma_wait3A_79 = arith.constant 0 : i32
        %dma_wait3A_80 = arith.constant 0 : i32
        %dma_wait3A_81 = tpu.memref_slice %arg2[%dma_wait3A_79, %dma_wait3A_80] : memref<10240x144xf32, #tpu.memory_space<hbm>> -> memref<10240x144xf32, #tpu.memory_space<hbm>>
        tpu.wait_indirect_dma semaphore(%arg20 : memref<!tpu.dma_semaphore, #tpu.memory_space<semaphore_mem>>) src(%dma_wait3A_81 : memref<10240x144xf32, #tpu.memory_space<hbm>>) dst(%arg15 : memref<64x144xf32, #tpu.memory_space<vmem>>)
        %add3A_82 = arith.constant 2 : i32
        %add3A_83 = arith.addi %add3A_58, %add3A_82 : i32
        %lt3A_84 = arith.cmpi slt, %add3A_83, %select_n3A_12 : i32
        %convert_element_type3A_85 = arith.extui %lt3A_84 : i1 to i32
        %cond3A_86 = arith.constant 0 : i32
        %cond3A_87 = arith.cmpi ne, %convert_element_type3A_85, %cond3A_86 : i32
        scf.if %cond3A_87 {
          %add3A_91 = arith.constant 2 : i32
          %add3A_92 = arith.addi %add3A_58, %add3A_91 : i32
          %ge3A = arith.constant 4 : i32
          %ge3A_93 = arith.cmpi sge, %add3A_92, %ge3A : i32
          %convert_element_type3A_94 = arith.extui %ge3A_93 : i1 to i32
          %cond3A_95 = arith.constant 0 : i32
          %cond3A_96 = arith.cmpi ne, %convert_element_type3A_94, %cond3A_95 : i32
          scf.if %cond3A_96 {
            %dma_wait3A_106 = arith.constant 0 : i32
            %dma_wait3A_107 = arith.constant 0 : i32
            %dma_wait3A_108 = tpu.memref_slice %arg18[%dma_wait3A_106, %dma_wait3A_107] : memref<10240x144xf32, #tpu.memory_space<vmem_shared>> -> memref<10240x144xf32, #tpu.memory_space<vmem_shared>>
            tpu.wait_indirect_dma semaphore(%arg26 : memref<!tpu.dma_semaphore, #tpu.memory_space<semaphore_mem>>) src(%arg17 : memref<64x144xf32, #tpu.memory_space<vmem>>) dst(%dma_wait3A_108 : memref<10240x144xf32, #tpu.memory_space<vmem_shared>>)
          } else {
          }
          %add3A_97 = arith.constant 2 : i32
          %add3A_98 = arith.addi %add3A_58, %add3A_97 : i32
          %mul3A_99 = arith.constant 64 : i32
          %mul3A_100 = arith.muli %add3A_98, %mul3A_99 : i32
          %add3A_101 = arith.addi %select_n3A_21, %mul3A_100 : i32
          %multiple_of3A_102 = tpu.assume_multiple %add3A_101, 64 : i32
          "tpu.region"() ({
            %run_scoped3A = tpu.sem_alloc : memref<!tpu.dma_semaphore, #tpu.memory_space<semaphore_mem>>
            %dma_start3A_106 = tpu.memref_slice %arg3[%multiple_of3A_102] : memref<320512xi32, #tpu.memory_space<hbm>> -> memref<64xi32, #tpu.memory_space<hbm>>
            %dma_start3A_107 = tpu.memref_slice %arg3[%multiple_of3A_102] : memref<320512xi32, #tpu.memory_space<hbm>> -> memref<64xi32, #tpu.memory_space<hbm>>
            tpu.enqueue_dma source(%dma_start3A_107 : memref<64xi32, #tpu.memory_space<hbm>>) target(%arg9 : memref<64xi32, #tpu.memory_space<vmem>>) target_semaphore(%run_scoped3A : memref<!tpu.dma_semaphore, #tpu.memory_space<semaphore_mem>>)
            %dma_wait3A_108 = tpu.memref_slice %arg3[%multiple_of3A_102] : memref<320512xi32, #tpu.memory_space<hbm>> -> memref<64xi32, #tpu.memory_space<hbm>>
            %dma_wait3A_109 = tpu.memref_slice %arg3[%multiple_of3A_102] : memref<320512xi32, #tpu.memory_space<hbm>> -> memref<64xi32, #tpu.memory_space<hbm>>
            tpu.wait_dma2 semaphore(%run_scoped3A : memref<!tpu.dma_semaphore, #tpu.memory_space<semaphore_mem>>) src(%dma_wait3A_109 : memref<64xi32, #tpu.memory_space<hbm>>) dst(%arg9 : memref<64xi32, #tpu.memory_space<vmem>>)
            tpu.yield
          }) : () -> ()
          "tpu.region"() ({
            %run_scoped3A = tpu.sem_alloc : memref<!tpu.dma_semaphore, #tpu.memory_space<semaphore_mem>>
            %dma_start3A_106 = tpu.memref_slice %arg4[%multiple_of3A_102] : memref<320512xi32, #tpu.memory_space<hbm>> -> memref<64xi32, #tpu.memory_space<hbm>>
            %dma_start3A_107 = tpu.memref_slice %arg4[%multiple_of3A_102] : memref<320512xi32, #tpu.memory_space<hbm>> -> memref<64xi32, #tpu.memory_space<hbm>>
            tpu.enqueue_dma source(%dma_start3A_107 : memref<64xi32, #tpu.memory_space<hbm>>) target(%arg13 : memref<64xi32, #tpu.memory_space<vmem>>) target_semaphore(%run_scoped3A : memref<!tpu.dma_semaphore, #tpu.memory_space<semaphore_mem>>)
            %dma_wait3A_108 = tpu.memref_slice %arg4[%multiple_of3A_102] : memref<320512xi32, #tpu.memory_space<hbm>> -> memref<64xi32, #tpu.memory_space<hbm>>
            %dma_wait3A_109 = tpu.memref_slice %arg4[%multiple_of3A_102] : memref<320512xi32, #tpu.memory_space<hbm>> -> memref<64xi32, #tpu.memory_space<hbm>>
            tpu.wait_dma2 semaphore(%run_scoped3A : memref<!tpu.dma_semaphore, #tpu.memory_space<semaphore_mem>>) src(%dma_wait3A_109 : memref<64xi32, #tpu.memory_space<hbm>>) dst(%arg13 : memref<64xi32, #tpu.memory_space<vmem>>)
            tpu.yield
          }) : () -> ()
          %dma_start3A_103 = arith.constant 0 : i32
          %dma_start3A_104 = arith.constant 0 : i32
          %dma_start3A_105 = tpu.memref_slice %arg2[%dma_start3A_103, %dma_start3A_104] : memref<10240x144xf32, #tpu.memory_space<hbm>> -> memref<10240x144xf32, #tpu.memory_space<hbm>>
          tpu.enqueue_indirect_dma source(%dma_start3A_105 : memref<10240x144xf32, #tpu.memory_space<hbm>>) target(%arg17 : memref<64x144xf32, #tpu.memory_space<vmem>>) offsets(%arg9 : memref<64xi32, #tpu.memory_space<vmem>>) semaphore(%arg22 : memref<!tpu.dma_semaphore, #tpu.memory_space<semaphore_mem>>)
        } else {
        }
        %dma_start3A_88 = arith.constant 0 : i32
        %dma_start3A_89 = arith.constant 0 : i32
        %dma_start3A_90 = tpu.memref_slice %arg18[%dma_start3A_88, %dma_start3A_89] : memref<10240x144xf32, #tpu.memory_space<vmem_shared>> -> memref<10240x144xf32, #tpu.memory_space<vmem_shared>>
        tpu.enqueue_indirect_dma source(%arg15 : memref<64x144xf32, #tpu.memory_space<vmem>>) target(%dma_start3A_90 : memref<10240x144xf32, #tpu.memory_space<vmem_shared>>) offsets(%arg11 : memref<64xi32, #tpu.memory_space<vmem>>) semaphore(%arg24 : memref<!tpu.dma_semaphore, #tpu.memory_space<semaphore_mem>>) {add = true}
      } else {
      }
      %mul3A_63 = arith.constant 4 : i32
      %mul3A_64 = arith.muli %mul3A_63, %scan3A_49 : i32
      %add3A_65 = arith.constant 2 : i32
      %add3A_66 = arith.addi %mul3A_64, %add3A_65 : i32
      %lt3A_67 = arith.cmpi slt, %add3A_66, %select_n3A_12 : i32
      %convert_element_type3A_68 = arith.extui %lt3A_67 : i1 to i32
      %cond3A_69 = arith.constant 0 : i32
      %cond3A_70 = arith.cmpi ne, %convert_element_type3A_68, %cond3A_69 : i32
      scf.if %cond3A_70 {
        %dma_wait3A_79 = arith.constant 0 : i32
        %dma_wait3A_80 = arith.constant 0 : i32
        %dma_wait3A_81 = tpu.memref_slice %arg2[%dma_wait3A_79, %dma_wait3A_80] : memref<10240x144xf32, #tpu.memory_space<hbm>> -> memref<10240x144xf32, #tpu.memory_space<hbm>>
        tpu.wait_indirect_dma semaphore(%arg21 : memref<!tpu.dma_semaphore, #tpu.memory_space<semaphore_mem>>) src(%dma_wait3A_81 : memref<10240x144xf32, #tpu.memory_space<hbm>>) dst(%arg16 : memref<64x144xf32, #tpu.memory_space<vmem>>)
        %add3A_82 = arith.constant 2 : i32
        %add3A_83 = arith.addi %add3A_66, %add3A_82 : i32
        %lt3A_84 = arith.cmpi slt, %add3A_83, %select_n3A_12 : i32
        %convert_element_type3A_85 = arith.extui %lt3A_84 : i1 to i32
        %cond3A_86 = arith.constant 0 : i32
        %cond3A_87 = arith.cmpi ne, %convert_element_type3A_85, %cond3A_86 : i32
        scf.if %cond3A_87 {
          %add3A_91 = arith.constant 2 : i32
          %add3A_92 = arith.addi %add3A_66, %add3A_91 : i32
          %ge3A = arith.constant 4 : i32
          %ge3A_93 = arith.cmpi sge, %add3A_92, %ge3A : i32
          %convert_element_type3A_94 = arith.extui %ge3A_93 : i1 to i32
          %cond3A_95 = arith.constant 0 : i32
          %cond3A_96 = arith.cmpi ne, %convert_element_type3A_94, %cond3A_95 : i32
          scf.if %cond3A_96 {
            %dma_wait3A_106 = arith.constant 0 : i32
            %dma_wait3A_107 = arith.constant 0 : i32
            %dma_wait3A_108 = tpu.memref_slice %arg18[%dma_wait3A_106, %dma_wait3A_107] : memref<10240x144xf32, #tpu.memory_space<vmem_shared>> -> memref<10240x144xf32, #tpu.memory_space<vmem_shared>>
            tpu.wait_indirect_dma semaphore(%arg23 : memref<!tpu.dma_semaphore, #tpu.memory_space<semaphore_mem>>) src(%arg14 : memref<64x144xf32, #tpu.memory_space<vmem>>) dst(%dma_wait3A_108 : memref<10240x144xf32, #tpu.memory_space<vmem_shared>>)
          } else {
          }
          %add3A_97 = arith.constant 2 : i32
          %add3A_98 = arith.addi %add3A_66, %add3A_97 : i32
          %mul3A_99 = arith.constant 64 : i32
          %mul3A_100 = arith.muli %add3A_98, %mul3A_99 : i32
          %add3A_101 = arith.addi %select_n3A_21, %mul3A_100 : i32
          %multiple_of3A_102 = tpu.assume_multiple %add3A_101, 64 : i32
          "tpu.region"() ({
            %run_scoped3A = tpu.sem_alloc : memref<!tpu.dma_semaphore, #tpu.memory_space<semaphore_mem>>
            %dma_start3A_106 = tpu.memref_slice %arg3[%multiple_of3A_102] : memref<320512xi32, #tpu.memory_space<hbm>> -> memref<64xi32, #tpu.memory_space<hbm>>
            %dma_start3A_107 = tpu.memref_slice %arg3[%multiple_of3A_102] : memref<320512xi32, #tpu.memory_space<hbm>> -> memref<64xi32, #tpu.memory_space<hbm>>
            tpu.enqueue_dma source(%dma_start3A_107 : memref<64xi32, #tpu.memory_space<hbm>>) target(%arg6 : memref<64xi32, #tpu.memory_space<vmem>>) target_semaphore(%run_scoped3A : memref<!tpu.dma_semaphore, #tpu.memory_space<semaphore_mem>>)
            %dma_wait3A_108 = tpu.memref_slice %arg3[%multiple_of3A_102] : memref<320512xi32, #tpu.memory_space<hbm>> -> memref<64xi32, #tpu.memory_space<hbm>>
            %dma_wait3A_109 = tpu.memref_slice %arg3[%multiple_of3A_102] : memref<320512xi32, #tpu.memory_space<hbm>> -> memref<64xi32, #tpu.memory_space<hbm>>
            tpu.wait_dma2 semaphore(%run_scoped3A : memref<!tpu.dma_semaphore, #tpu.memory_space<semaphore_mem>>) src(%dma_wait3A_109 : memref<64xi32, #tpu.memory_space<hbm>>) dst(%arg6 : memref<64xi32, #tpu.memory_space<vmem>>)
            tpu.yield
          }) : () -> ()
          "tpu.region"() ({
            %run_scoped3A = tpu.sem_alloc : memref<!tpu.dma_semaphore, #tpu.memory_space<semaphore_mem>>
            %dma_start3A_106 = tpu.memref_slice %arg4[%multiple_of3A_102] : memref<320512xi32, #tpu.memory_space<hbm>> -> memref<64xi32, #tpu.memory_space<hbm>>
            %dma_start3A_107 = tpu.memref_slice %arg4[%multiple_of3A_102] : memref<320512xi32, #tpu.memory_space<hbm>> -> memref<64xi32, #tpu.memory_space<hbm>>
            tpu.enqueue_dma source(%dma_start3A_107 : memref<64xi32, #tpu.memory_space<hbm>>) target(%arg10 : memref<64xi32, #tpu.memory_space<vmem>>) target_semaphore(%run_scoped3A : memref<!tpu.dma_semaphore, #tpu.memory_space<semaphore_mem>>)
            %dma_wait3A_108 = tpu.memref_slice %arg4[%multiple_of3A_102] : memref<320512xi32, #tpu.memory_space<hbm>> -> memref<64xi32, #tpu.memory_space<hbm>>
            %dma_wait3A_109 = tpu.memref_slice %arg4[%multiple_of3A_102] : memref<320512xi32, #tpu.memory_space<hbm>> -> memref<64xi32, #tpu.memory_space<hbm>>
            tpu.wait_dma2 semaphore(%run_scoped3A : memref<!tpu.dma_semaphore, #tpu.memory_space<semaphore_mem>>) src(%dma_wait3A_109 : memref<64xi32, #tpu.memory_space<hbm>>) dst(%arg10 : memref<64xi32, #tpu.memory_space<vmem>>)
            tpu.yield
          }) : () -> ()
          %dma_start3A_103 = arith.constant 0 : i32
          %dma_start3A_104 = arith.constant 0 : i32
          %dma_start3A_105 = tpu.memref_slice %arg2[%dma_start3A_103, %dma_start3A_104] : memref<10240x144xf32, #tpu.memory_space<hbm>> -> memref<10240x144xf32, #tpu.memory_space<hbm>>
          tpu.enqueue_indirect_dma source(%dma_start3A_105 : memref<10240x144xf32, #tpu.memory_space<hbm>>) target(%arg14 : memref<64x144xf32, #tpu.memory_space<vmem>>) offsets(%arg6 : memref<64xi32, #tpu.memory_space<vmem>>) semaphore(%arg19 : memref<!tpu.dma_semaphore, #tpu.memory_space<semaphore_mem>>)
        } else {
        }
        %dma_start3A_88 = arith.constant 0 : i32
        %dma_start3A_89 = arith.constant 0 : i32
        %dma_start3A_90 = tpu.memref_slice %arg18[%dma_start3A_88, %dma_start3A_89] : memref<10240x144xf32, #tpu.memory_space<vmem_shared>> -> memref<10240x144xf32, #tpu.memory_space<vmem_shared>>
        tpu.enqueue_indirect_dma source(%arg16 : memref<64x144xf32, #tpu.memory_space<vmem>>) target(%dma_start3A_90 : memref<10240x144xf32, #tpu.memory_space<vmem_shared>>) offsets(%arg12 : memref<64xi32, #tpu.memory_space<vmem>>) semaphore(%arg25 : memref<!tpu.dma_semaphore, #tpu.memory_space<semaphore_mem>>) {add = true}
      } else {
      }
      %mul3A_71 = arith.constant 4 : i32
      %mul3A_72 = arith.muli %mul3A_71, %scan3A_49 : i32
      %add3A_73 = arith.constant 3 : i32
      %add3A_74 = arith.addi %mul3A_72, %add3A_73 : i32
      %lt3A_75 = arith.cmpi slt, %add3A_74, %select_n3A_12 : i32
      %convert_element_type3A_76 = arith.extui %lt3A_75 : i1 to i32
      %cond3A_77 = arith.constant 0 : i32
      %cond3A_78 = arith.cmpi ne, %convert_element_type3A_76, %cond3A_77 : i32
      scf.if %cond3A_78 {
        %dma_wait3A_79 = arith.constant 0 : i32
        %dma_wait3A_80 = arith.constant 0 : i32
        %dma_wait3A_81 = tpu.memref_slice %arg2[%dma_wait3A_79, %dma_wait3A_80] : memref<10240x144xf32, #tpu.memory_space<hbm>> -> memref<10240x144xf32, #tpu.memory_space<hbm>>
        tpu.wait_indirect_dma semaphore(%arg22 : memref<!tpu.dma_semaphore, #tpu.memory_space<semaphore_mem>>) src(%dma_wait3A_81 : memref<10240x144xf32, #tpu.memory_space<hbm>>) dst(%arg17 : memref<64x144xf32, #tpu.memory_space<vmem>>)
        %add3A_82 = arith.constant 2 : i32
        %add3A_83 = arith.addi %add3A_74, %add3A_82 : i32
        %lt3A_84 = arith.cmpi slt, %add3A_83, %select_n3A_12 : i32
        %convert_element_type3A_85 = arith.extui %lt3A_84 : i1 to i32
        %cond3A_86 = arith.constant 0 : i32
        %cond3A_87 = arith.cmpi ne, %convert_element_type3A_85, %cond3A_86 : i32
        scf.if %cond3A_87 {
          %add3A_91 = arith.constant 2 : i32
          %add3A_92 = arith.addi %add3A_74, %add3A_91 : i32
          %ge3A = arith.constant 4 : i32
          %ge3A_93 = arith.cmpi sge, %add3A_92, %ge3A : i32
          %convert_element_type3A_94 = arith.extui %ge3A_93 : i1 to i32
          %cond3A_95 = arith.constant 0 : i32
          %cond3A_96 = arith.cmpi ne, %convert_element_type3A_94, %cond3A_95 : i32
          scf.if %cond3A_96 {
            %dma_wait3A_106 = arith.constant 0 : i32
            %dma_wait3A_107 = arith.constant 0 : i32
            %dma_wait3A_108 = tpu.memref_slice %arg18[%dma_wait3A_106, %dma_wait3A_107] : memref<10240x144xf32, #tpu.memory_space<vmem_shared>> -> memref<10240x144xf32, #tpu.memory_space<vmem_shared>>
            tpu.wait_indirect_dma semaphore(%arg24 : memref<!tpu.dma_semaphore, #tpu.memory_space<semaphore_mem>>) src(%arg15 : memref<64x144xf32, #tpu.memory_space<vmem>>) dst(%dma_wait3A_108 : memref<10240x144xf32, #tpu.memory_space<vmem_shared>>)
          } else {
          }
          %add3A_97 = arith.constant 2 : i32
          %add3A_98 = arith.addi %add3A_74, %add3A_97 : i32
          %mul3A_99 = arith.constant 64 : i32
          %mul3A_100 = arith.muli %add3A_98, %mul3A_99 : i32
          %add3A_101 = arith.addi %select_n3A_21, %mul3A_100 : i32
          %multiple_of3A_102 = tpu.assume_multiple %add3A_101, 64 : i32
          "tpu.region"() ({
            %run_scoped3A = tpu.sem_alloc : memref<!tpu.dma_semaphore, #tpu.memory_space<semaphore_mem>>
            %dma_start3A_106 = tpu.memref_slice %arg3[%multiple_of3A_102] : memref<320512xi32, #tpu.memory_space<hbm>> -> memref<64xi32, #tpu.memory_space<hbm>>
            %dma_start3A_107 = tpu.memref_slice %arg3[%multiple_of3A_102] : memref<320512xi32, #tpu.memory_space<hbm>> -> memref<64xi32, #tpu.memory_space<hbm>>
            tpu.enqueue_dma source(%dma_start3A_107 : memref<64xi32, #tpu.memory_space<hbm>>) target(%arg7 : memref<64xi32, #tpu.memory_space<vmem>>) target_semaphore(%run_scoped3A : memref<!tpu.dma_semaphore, #tpu.memory_space<semaphore_mem>>)
            %dma_wait3A_108 = tpu.memref_slice %arg3[%multiple_of3A_102] : memref<320512xi32, #tpu.memory_space<hbm>> -> memref<64xi32, #tpu.memory_space<hbm>>
            %dma_wait3A_109 = tpu.memref_slice %arg3[%multiple_of3A_102] : memref<320512xi32, #tpu.memory_space<hbm>> -> memref<64xi32, #tpu.memory_space<hbm>>
            tpu.wait_dma2 semaphore(%run_scoped3A : memref<!tpu.dma_semaphore, #tpu.memory_space<semaphore_mem>>) src(%dma_wait3A_109 : memref<64xi32, #tpu.memory_space<hbm>>) dst(%arg7 : memref<64xi32, #tpu.memory_space<vmem>>)
            tpu.yield
          }) : () -> ()
          "tpu.region"() ({
            %run_scoped3A = tpu.sem_alloc : memref<!tpu.dma_semaphore, #tpu.memory_space<semaphore_mem>>
            %dma_start3A_106 = tpu.memref_slice %arg4[%multiple_of3A_102] : memref<320512xi32, #tpu.memory_space<hbm>> -> memref<64xi32, #tpu.memory_space<hbm>>
            %dma_start3A_107 = tpu.memref_slice %arg4[%multiple_of3A_102] : memref<320512xi32, #tpu.memory_space<hbm>> -> memref<64xi32, #tpu.memory_space<hbm>>
            tpu.enqueue_dma source(%dma_start3A_107 : memref<64xi32, #tpu.memory_space<hbm>>) target(%arg11 : memref<64xi32, #tpu.memory_space<vmem>>) target_semaphore(%run_scoped3A : memref<!tpu.dma_semaphore, #tpu.memory_space<semaphore_mem>>)
            %dma_wait3A_108 = tpu.memref_slice %arg4[%multiple_of3A_102] : memref<320512xi32, #tpu.memory_space<hbm>> -> memref<64xi32, #tpu.memory_space<hbm>>
            %dma_wait3A_109 = tpu.memref_slice %arg4[%multiple_of3A_102] : memref<320512xi32, #tpu.memory_space<hbm>> -> memref<64xi32, #tpu.memory_space<hbm>>
            tpu.wait_dma2 semaphore(%run_scoped3A : memref<!tpu.dma_semaphore, #tpu.memory_space<semaphore_mem>>) src(%dma_wait3A_109 : memref<64xi32, #tpu.memory_space<hbm>>) dst(%arg11 : memref<64xi32, #tpu.memory_space<vmem>>)
            tpu.yield
          }) : () -> ()
          %dma_start3A_103 = arith.constant 0 : i32
          %dma_start3A_104 = arith.constant 0 : i32
          %dma_start3A_105 = tpu.memref_slice %arg2[%dma_start3A_103, %dma_start3A_104] : memref<10240x144xf32, #tpu.memory_space<hbm>> -> memref<10240x144xf32, #tpu.memory_space<hbm>>
          tpu.enqueue_indirect_dma source(%dma_start3A_105 : memref<10240x144xf32, #tpu.memory_space<hbm>>) target(%arg15 : memref<64x144xf32, #tpu.memory_space<vmem>>) offsets(%arg7 : memref<64xi32, #tpu.memory_space<vmem>>) semaphore(%arg20 : memref<!tpu.dma_semaphore, #tpu.memory_space<semaphore_mem>>)
        } else {
        }
        %dma_start3A_88 = arith.constant 0 : i32
        %dma_start3A_89 = arith.constant 0 : i32
        %dma_start3A_90 = tpu.memref_slice %arg18[%dma_start3A_88, %dma_start3A_89] : memref<10240x144xf32, #tpu.memory_space<vmem_shared>> -> memref<10240x144xf32, #tpu.memory_space<vmem_shared>>
        tpu.enqueue_indirect_dma source(%arg17 : memref<64x144xf32, #tpu.memory_space<vmem>>) target(%dma_start3A_90 : memref<10240x144xf32, #tpu.memory_space<vmem_shared>>) offsets(%arg13 : memref<64xi32, #tpu.memory_space<vmem>>) semaphore(%arg26 : memref<!tpu.dma_semaphore, #tpu.memory_space<semaphore_mem>>) {add = true}
      } else {
      }
    }
    %scan3A_36 = arith.constant 45 : i32
    %dma_wait3A = arith.constant 0 : i32
    %dma_wait3A_37 = arith.constant 0 : i32
    %dma_wait3A_38 = tpu.memref_slice %arg18[%dma_wait3A, %dma_wait3A_37] : memref<10240x144xf32, #tpu.memory_space<vmem_shared>> -> memref<10240x144xf32, #tpu.memory_space<vmem_shared>>
    tpu.wait_indirect_dma semaphore(%arg23 : memref<!tpu.dma_semaphore, #tpu.memory_space<semaphore_mem>>) src(%arg14 : memref<64x144xf32, #tpu.memory_space<vmem>>) dst(%dma_wait3A_38 : memref<10240x144xf32, #tpu.memory_space<vmem_shared>>)
    %dma_wait3A_39 = arith.constant 0 : i32
    %dma_wait3A_40 = arith.constant 0 : i32
    %dma_wait3A_41 = tpu.memref_slice %arg18[%dma_wait3A_39, %dma_wait3A_40] : memref<10240x144xf32, #tpu.memory_space<vmem_shared>> -> memref<10240x144xf32, #tpu.memory_space<vmem_shared>>
    tpu.wait_indirect_dma semaphore(%arg24 : memref<!tpu.dma_semaphore, #tpu.memory_space<semaphore_mem>>) src(%arg15 : memref<64x144xf32, #tpu.memory_space<vmem>>) dst(%dma_wait3A_41 : memref<10240x144xf32, #tpu.memory_space<vmem_shared>>)
    %dma_wait3A_42 = arith.constant 0 : i32
    %dma_wait3A_43 = arith.constant 0 : i32
    %dma_wait3A_44 = tpu.memref_slice %arg18[%dma_wait3A_42, %dma_wait3A_43] : memref<10240x144xf32, #tpu.memory_space<vmem_shared>> -> memref<10240x144xf32, #tpu.memory_space<vmem_shared>>
    tpu.wait_indirect_dma semaphore(%arg25 : memref<!tpu.dma_semaphore, #tpu.memory_space<semaphore_mem>>) src(%arg16 : memref<64x144xf32, #tpu.memory_space<vmem>>) dst(%dma_wait3A_44 : memref<10240x144xf32, #tpu.memory_space<vmem_shared>>)
    %dma_wait3A_45 = arith.constant 0 : i32
    %dma_wait3A_46 = arith.constant 0 : i32
    %dma_wait3A_47 = tpu.memref_slice %arg18[%dma_wait3A_45, %dma_wait3A_46] : memref<10240x144xf32, #tpu.memory_space<vmem_shared>> -> memref<10240x144xf32, #tpu.memory_space<vmem_shared>>
    tpu.wait_indirect_dma semaphore(%arg26 : memref<!tpu.dma_semaphore, #tpu.memory_space<semaphore_mem>>) src(%arg17 : memref<64x144xf32, #tpu.memory_space<vmem>>) dst(%dma_wait3A_47 : memref<10240x144xf32, #tpu.memory_space<vmem_shared>>)
    %barrier3A_48 = arith.constant 0 : index
    tpu.barrier barrier_id(%barrier3A_48)
    "tpu.region"() ({
      %run_scoped3A = tpu.sem_alloc : memref<!tpu.dma_semaphore, #tpu.memory_space<semaphore_mem>>
      %dma_start3A_49 = arith.constant 0 : i32
      %dma_start3A_50 = tpu.memref_slice %arg5[%arg0, %mul3A_0, %dma_start3A_49] : memref<2x10240x144xf32, #tpu.memory_space<hbm>> -> memref<1x640x144xf32, #tpu.memory_space<hbm>>
      %dma_start3A_51 = tpu.memref_squeeze %dma_start3A_50 : memref<1x640x144xf32, #tpu.memory_space<hbm>> -> memref<640x144xf32, #tpu.memory_space<hbm>>
      %dma_start3A_52 = arith.constant 0 : i32
      %dma_start3A_53 = tpu.memref_slice %arg18[%mul3A_0, %dma_start3A_52] : memref<10240x144xf32, #tpu.memory_space<vmem_shared>> -> memref<640x144xf32, #tpu.memory_space<vmem_shared>>
      tpu.enqueue_dma source(%dma_start3A_53 : memref<640x144xf32, #tpu.memory_space<vmem_shared>>) target(%dma_start3A_51 : memref<640x144xf32, #tpu.memory_space<hbm>>) target_semaphore(%run_scoped3A : memref<!tpu.dma_semaphore, #tpu.memory_space<semaphore_mem>>)
      %dma_wait3A_54 = arith.constant 0 : i32
      %dma_wait3A_55 = tpu.memref_slice %arg5[%arg0, %mul3A_0, %dma_wait3A_54] : memref<2x10240x144xf32, #tpu.memory_space<hbm>> -> memref<1x640x144xf32, #tpu.memory_space<hbm>>
      %dma_wait3A_56 = tpu.memref_squeeze %dma_wait3A_55 : memref<1x640x144xf32, #tpu.memory_space<hbm>> -> memref<640x144xf32, #tpu.memory_space<hbm>>
      %dma_wait3A_57 = arith.constant 0 : i32
      %dma_wait3A_58 = tpu.memref_slice %arg18[%mul3A_0, %dma_wait3A_57] : memref<10240x144xf32, #tpu.memory_space<vmem_shared>> -> memref<640x144xf32, #tpu.memory_space<vmem_shared>>
      tpu.wait_dma2 semaphore(%run_scoped3A : memref<!tpu.dma_semaphore, #tpu.memory_space<semaphore_mem>>) src(%dma_wait3A_58 : memref<640x144xf32, #tpu.memory_space<vmem_shared>>) dst(%dma_wait3A_56 : memref<640x144xf32, #tpu.memory_space<hbm>>)
      tpu.yield
    }) : () -> ()
    return
  }
}

module attributes {stable_mosaic.version = 14 : i64} {
  func.func @_vext_body(%arg0: i32, %arg1: memref<1024x128xf32, #tpu.memory_space<vmem>>, %arg2: memref<128x128xf32, #tpu.memory_space<vmem>>, %arg3: memref<8x128xf32, #tpu.memory_space<vmem>>, %arg4: memref<1024x144xf32, #tpu.memory_space<vmem>>) attributes {dimension_semantics = [#tpu.dimension_semantics<arbitrary>], iteration_bounds = array<i64: 10>, scalar_prefetch = 0 : i64, scratch_operands = 0 : i64, tpu.core_type = #tpu.core_type<tc>, window_params = [{transform_indices = @transform_0, window_bounds = array<i64: 1024, 128>}, {pipeline_mode = #tpu.pipeline_mode<synchronous>, transform_indices = @transform_1, window_bounds = array<i64: 128, 128>}, {pipeline_mode = #tpu.pipeline_mode<synchronous>, transform_indices = @transform_2, window_bounds = array<i64: 8, 128>}, {transform_indices = @transform_3, window_bounds = array<i64: 1024, 144>}]} {
    %get3A = arith.constant 0 : index
    %get3A_0 = arith.constant 0 : index
    %get3A_1 = vector.load %arg1[%get3A, %get3A_0] : memref<1024x128xf32, #tpu.memory_space<vmem>>, vector<1024x128xf32>
    %get3A_2 = arith.constant 0 : index
    %get3A_3 = arith.constant 0 : index
    %get3A_4 = vector.load %arg2[%get3A_2, %get3A_3] : memref<128x128xf32, #tpu.memory_space<vmem>>, vector<128x128xf32>
    %dot_general3A = arith.constant dense<0.000000e+00> : vector<1024x128xf32>
    %dot_general3A_5 = tpu.matmul %get3A_1, %get3A_4, %dot_general3A {dimension_numbers = #tpu.dot_dimension_numbers<[1], [1], [0], [0], [0, 0, 1, 0], [], []>, transpose_lhs_hint = false} : vector<1024x128xf32>, vector<128x128xf32>, vector<1024x128xf32> -> vector<1024x128xf32>
    %get3A_6 = arith.constant 0 : index
    %get3A_7 = arith.constant 0 : index
    %get3A_8 = vector.load %arg3[%get3A_6, %get3A_7] : memref<8x128xf32, #tpu.memory_space<vmem>>, vector<1x128xf32>
    %get3A_9 = vector.shape_cast %get3A_8 : vector<1x128xf32> to vector<128xf32>
    %broadcast_in_dim3A = vector.shape_cast %get3A_9 : vector<128xf32> to vector<1x128xf32>
    %add3A = vector.broadcast %broadcast_in_dim3A : vector<1x128xf32> to vector<1024x128xf32>
    %add3A_10 = arith.addf %dot_general3A_5, %add3A : vector<1024x128xf32>
    %mul3A = arith.constant 1024 : i32
    %mul3A_11 = arith.muli %arg0, %mul3A : i32
    %iota3A = tpu.iota {dimensions = array<i32: 0>} : vector<1024x1xi32>
    %add3A_12 = vector.broadcast %mul3A_11 : i32 to vector<1024x1xi32>
    %add3A_13 = arith.addi %add3A_12, %iota3A : vector<1024x1xi32>
    %lt3A = arith.constant 10000 : i32
    %lt3A_14 = vector.broadcast %lt3A : i32 to vector<1024x1xi32>
    %lt3A_15 = arith.cmpi slt, %add3A_13, %lt3A_14 : vector<1024x1xi32>
    %jit3A = arith.constant 0.000000e+00 : f32
    %broadcast_in_dim3A_16 = vector.shape_cast %lt3A_15 : vector<1024x1xi1> to vector<1024x1xi1>
    %broadcast_in_dim3A_17 = vector.broadcast %broadcast_in_dim3A_16 : vector<1024x1xi1> to vector<1024x128xi1>
    %broadcast_in_dim3A_18 = vector.broadcast %jit3A : f32 to vector<1024x128xf32>
    %select_n3A = arith.select %broadcast_in_dim3A_17, %add3A_10, %broadcast_in_dim3A_18 : vector<1024x128xi1>, vector<1024x128xf32>
    %broadcast_in_dim3A_19 = vector.shape_cast %lt3A_15 : vector<1024x1xi1> to vector<1024x1xi1>
    %broadcast_in_dim3A_20 = vector.broadcast %broadcast_in_dim3A_19 : vector<1024x1xi1> to vector<1024x16xi1>
    %jit3A_21 = arith.constant 1.000000e+00 : f32
    %jit3A_22 = arith.constant 0.000000e+00 : f32
    %broadcast_in_dim3A_23 = vector.broadcast %jit3A_21 : f32 to vector<1024x16xf32>
    %broadcast_in_dim3A_24 = vector.broadcast %jit3A_22 : f32 to vector<1024x16xf32>
    %select_n3A_25 = arith.select %broadcast_in_dim3A_20, %broadcast_in_dim3A_23, %broadcast_in_dim3A_24 : vector<1024x16xi1>, vector<1024x16xf32>
    %concatenate3A = tpu.concatenate %select_n3A, %select_n3A_25 in 1 : vector<1024x128xf32>, vector<1024x16xf32> -> vector<1024x144xf32>
    %swap3A = arith.constant 0 : index
    %swap3A_26 = arith.constant 0 : index
    %swap3A_27 = vector.load %arg4[%swap3A, %swap3A_26] : memref<1024x144xf32, #tpu.memory_space<vmem>>, vector<1024x144xf32>
    tpu.vector_store %arg4[%swap3A, %swap3A_26], %concatenate3A {strides = array<i32>} : memref<1024x144xf32, #tpu.memory_space<vmem>>, vector<1024x144xf32>,
    return
  }
  func.func @transform_0(%arg0: i32) -> (i32, i32) {
    %c0_i32 = arith.constant 0 : i32
    %c0_i32_0 = arith.constant 0 : i32
    return %arg0, %c0_i32 : i32, i32
  }
  func.func @transform_1(%arg0: i32) -> (i32, i32) {
    %c0_i32 = arith.constant 0 : i32
    %c0_i32_0 = arith.constant 0 : i32
    %c0_i32_1 = arith.constant 0 : i32
    return %c0_i32, %c0_i32_0 : i32, i32
  }
  func.func @transform_2(%arg0: i32) -> (i32, i32) {
    %c0_i32 = arith.constant 0 : i32
    %c0_i32_0 = arith.constant 0 : i32
    %c0_i32_1 = arith.constant 0 : i32
    return %c0_i32, %c0_i32_0 : i32, i32
  }
  func.func @transform_3(%arg0: i32) -> (i32, i32) {
    %c0_i32 = arith.constant 0 : i32
    %c0_i32_0 = arith.constant 0 : i32
    return %arg0, %c0_i32 : i32, i32
  }
}

module attributes {stable_mosaic.version = 14 : i64} {
  func.func @_combine_body(%arg0: i32, %arg1: memref<1x1000x144xf32, #tpu.memory_space<vmem>>, %arg2: memref<1x1000x144xf32, #tpu.memory_space<vmem>>, %arg3: memref<1000x128xf32, #tpu.memory_space<vmem>>) attributes {dimension_semantics = [#tpu.dimension_semantics<arbitrary>], iteration_bounds = array<i64: 10>, scalar_prefetch = 0 : i64, scratch_operands = 0 : i64, tpu.core_type = #tpu.core_type<tc>, window_params = [{transform_indices = @transform_0, window_bounds = array<i64: 1, 1000, 144>}, {transform_indices = @transform_1, window_bounds = array<i64: 1, 1000, 144>}, {transform_indices = @transform_2, window_bounds = array<i64: 1000, 128>}]} {
    %get3A = arith.constant 0 : index
    %get3A_0 = arith.constant 0 : index
    %get3A_1 = arith.constant 0 : index
    %get3A_2 = vector.load %arg1[%get3A, %get3A_0, %get3A_1] : memref<1x1000x144xf32, #tpu.memory_space<vmem>>, vector<1x1000x144xf32>
    %get3A_3 = vector.shape_cast %get3A_2 : vector<1x1000x144xf32> to vector<1000x144xf32>
    %get3A_4 = arith.constant 0 : index
    %get3A_5 = arith.constant 0 : index
    %get3A_6 = arith.constant 0 : index
    %get3A_7 = vector.load %arg2[%get3A_4, %get3A_5, %get3A_6] : memref<1x1000x144xf32, #tpu.memory_space<vmem>>, vector<1x1000x144xf32>
    %get3A_8 = vector.shape_cast %get3A_7 : vector<1x1000x144xf32> to vector<1000x144xf32>
    %add3A = arith.addf %get3A_3, %get3A_8 : vector<1000x144xf32>
    %slice3A = vector.extract_strided_slice %add3A {offsets = [0, 128], sizes = [1000, 1], strides = [1, 1]} : vector<1000x144xf32> to vector<1000x1xf32>
    %slice3A_9 = vector.extract_strided_slice %add3A {offsets = [0, 0], sizes = [1000, 128], strides = [1, 1]} : vector<1000x144xf32> to vector<1000x128xf32>
    %max3A = arith.constant 1.000000e+00 : f32
    %max3A_10 = vector.broadcast %max3A : f32 to vector<1000x1xf32>
    %max3A_11 = arith.maximumf %slice3A, %max3A_10 : vector<1000x1xf32>
    %div3A = vector.broadcast %max3A_11 : vector<1000x1xf32> to vector<1000x128xf32>
    %div3A_12 = arith.divf %slice3A_9, %div3A : vector<1000x128xf32>
    %swap3A = arith.constant 0 : index
    %swap3A_13 = arith.constant 0 : index
    %swap3A_14 = vector.load %arg3[%swap3A, %swap3A_13] : memref<1000x128xf32, #tpu.memory_space<vmem>>, vector<1000x128xf32>
    tpu.vector_store %arg3[%swap3A, %swap3A_13], %div3A_12 {strides = array<i32>} : memref<1000x128xf32, #tpu.memory_space<vmem>>, vector<1000x128xf32>,
    return
  }
  func.func @transform_0(%arg0: i32) -> (i32, i32, i32) {
    %c0_i32 = arith.constant 0 : i32
    %c0_i32_0 = arith.constant 0 : i32
    %c0_i32_1 = arith.constant 0 : i32
    return %c0_i32, %arg0, %c0_i32_0 : i32, i32, i32
  }
  func.func @transform_1(%arg0: i32) -> (i32, i32, i32) {
    %c1_i32 = arith.constant 1 : i32
    %c0_i32 = arith.constant 0 : i32
    %c0_i32_0 = arith.constant 0 : i32
    return %c1_i32, %arg0, %c0_i32 : i32, i32, i32
  }
  func.func @transform_2(%arg0: i32) -> (i32, i32) {
    %c0_i32 = arith.constant 0 : i32
    %c0_i32_0 = arith.constant 0 : i32
    return %arg0, %c0_i32 : i32, i32
  }
}

</mosaic_0001>

<sc_bundles>
// kernel: kernel.5.cloned.1.call-start
scs
__scs_entry_jumppad:
0x0: {  	(pc) =	sbr.rel $0x88, $3  }
0x1: {  	(tag) =	ssettag $0x0;
	lr =	simm.s32 $0x1  }
0x2: {  	[smem:$0x3F9D] =	sst lr;
	_ =	strace $0xD0000000  }
0x3: {  	_ = 	snop  }
0x4: {  	_ = 	snop  }
0x5: {  	_ = 	snop  }
0x6: {  	_ = 	snop  }
0x7: {  	_ = 	snop  }
__scs_overlays_trampoline_lowered:
0x8: {  	[smem:$0x3FAC] =	sst s0  }
0x9: {  	[smem:$0x3FAD] =	sst s1  }
0xa: {  	[smem:$0x3FAE] =	sst s2  }
0xb: {  	[smem:$0x3FAF] =	sst s3  }
0xc: {  	[smem:$0x3FB0] =	sst s4  }
0xd: {  	[smem:$0x3FB1] =	sst s5  }
0xe: {  	[smem:$0x3FB2] =	sst s6  }
0xf: {  	[smem:$0x3FB3] =	sst s7  }
0x10: {  	[smem:$0x3FB4] =	sst s8  }
0x11: {  	[smem:$0x3FB5] =	sst s9;
	s0 =	simm.s32 @!p0 $0x0  }
0x12: {  	s1 =	sld [smem:$0x3F9B];
	s0 =	simm.s32 @p0 $0x1  }
0x13: {  	[smem:$0x3FB6] =	sst s0;
	s0 =	simm.s32 @!p1 $0x0  }
0x14: {  	s2 =	sld [smem:$0x3F9A];
	s0 =	simm.s32 @p1 $0x1  }
0x15: {  	[smem:$0x3FB7] =	sst s0;
	s0 =	simm.s32 @!p2 $0x0  }
0x16: {  	s3 =	sld [smem:$0x3FDB];
	s0 =	simm.s32 @p2 $0x1  }
0x17: {  	s4 =	simm.s32 $0x1BF5;
	[smem:$0x3FB9] =	sst s0  }
0x18: {  	s0 =	sld [smem:$0x3F9C];
	_ =	swait.ge [sflag:s4], $0x0  }
0x19: {  	s7 =	sld [smem:$0x3F9D]  }
0x1a: {  	s8 =	sadd.s32 $0xFFFFE003, lr  }
0x1b: {  	s9 =	sadd.s32 $0xFFFFFEF7, lr;
	s5 =	simm.s32 $0xFFFFFFFF;
	p2 =	slt.u32 s8, $0xFFFFF086  }
0x1c: {  	p1 =	slt.u32 s9, $0xF7A;
	s5 =	simm.s32 @!p2 $0x0  }
0x1d: {  	s5 =	simm.s32 @p1 $0x1;
	p0 =	seq.s32 s7, s2  }
0x1e: {  	s7 =	smul.u32 @!p0 $0xF7A, s2;
	p2 =	seq.s32 @!p0 s5, $0x0  }
0x1f: {  	s9 =	smul.u32 $0xF7A, s1;
	s8 =	simm.s32 @!p0 $0x1BF5;
	p2 =	por !p2, p0  }
0x20: {  	[sflag:s8] =	ssyncset.s32 @!p0 $0xFFFFF086;
	s6 =	sadd.s32 @!p0 s3, s7;
	s7 =	simm.s32 @!p0 $0x108  }
0x21: {  	s3 =	sadd.s32 s3, s9;
	s6 =	sadd.s32 @!p0 $0x88, s6;
	s7 =	simm.s32 @p2 $0x1082  }
0x22: {  	[simem:s7], [sflag:s8] =	dma.local @!p0 [hbm:s6], $0xF7A  }
0x23: {  	s9 =	sor.u32 $0xD0000000, s2;
	s6 =	simm.s32 $0x108;
	_ =	swait.ge @!p0 [sflag:s8], $0x0  }
0x24: {  	s3 =	sadd.s32 $0x88, s3;
	s6 =	simm.s32 @!p1 $0x1082;
	[sflag:s4] =	ssyncset.s32 $0xFFFFF086  }
0x25: {  	[simem:s6], [sflag:s4] =	dma.local [hbm:s3], $0xF7A  }
0x26: {  	[smem:$0x3F9D] =	sst s1;
	(tag) =	ssettag s2;
	_ =	strace s9  }
0x27: {  	s1 =	sld [smem:$0x3FAD]  }
0x28: {  	s2 =	sld [smem:$0x3FAE]  }
0x29: {  	s4 =	sld [smem:$0x3FB0]  }
0x2a: {  	p0 =	seq.s32 s5, $0x0;
	s5 =	sld [smem:$0x3FB1]  }
0x2b: {  	s6 =	sld [smem:$0x3FB2]  }
0x2c: {  	s7 =	sld [smem:$0x3FB3]  }
0x2d: {  	s3 =	simm.s32 $0x108;
	s8 =	sld [smem:$0x3FB4]  }
0x2e: {  	s3 =	simm.s32 @!p0 $0x1082;
	s9 =	sld [smem:$0x3FB5]  }
0x2f: {  	lr =	sadd.s32 s0, s3;
	s0 =	sld [smem:$0x3FAC]  }
0x30: {  	s3 =	sld [smem:$0x3FAF]  }
0x31: {  	[smem:$0x3FB8] =	sst s10  }
0x32: {  	s10 =	sld [smem:$0x3FB6];
	_ =	sdelay $0x3  }
0x33: {  	p0 =	seq.s32 s10, $0x1;
	s10 =	sld [smem:$0x3FB8];
	_ =	sdelay $0x3  }
0x34: {  	[smem:$0x3FB8] =	sst s10  }
0x35: {  	s10 =	sld [smem:$0x3FB7];
	_ =	sdelay $0x3  }
0x36: {  	p1 =	seq.s32 s10, $0x1;
	s10 =	sld [smem:$0x3FB8];
	_ =	sdelay $0x3  }
0x37: {  	[smem:$0x3FB8] =	sst s10  }
0x38: {  	s10 =	sld [smem:$0x3FB9]  }
0x39: {  	_ = 	snop;
	(pc) =	sbr.ind lr, $3  }
0x3a: {  	_ = 	snop  }
0x3b: {  	_ = 	snop  }
0x3c: {  	p2 =	seq.s32 s10, $0x1;
	s10 =	sld [smem:$0x3FB8]  }
0x3d: {  	_ =	shalt  }
0x3e: {  	_ =	shalt  }
0x3f: {  	_ =	shalt  }
0x40: {  	_ =	shalt  }
0x41: {  	_ =	shalt  }
0x42: {  	_ =	shalt  }
0x43: {  	_ =	shalt  }
0x44: {  	_ =	shalt  }
0x45: {  	_ =	shalt  }
0x46: {  	_ =	shalt  }
0x47: {  	_ =	shalt  }
0x48: {  	_ =	shalt  }
0x49: {  	_ =	shalt  }
0x4a: {  	_ =	shalt  }
0x4b: {  	_ =	shalt  }
0x4c: {  	_ =	shalt  }
0x4d: {  	_ =	shalt  }
0x4e: {  	_ =	shalt  }
0x4f: {  	_ =	shalt  }
0x50: {  	_ =	shalt  }
0x51: {  	_ =	shalt  }
0x52: {  	_ =	shalt  }
0x53: {  	_ =	shalt  }
0x54: {  	_ =	shalt  }
0x55: {  	_ =	shalt  }
0x56: {  	_ =	shalt  }
0x57: {  	_ =	shalt  }
0x58: {  	_ =	shalt  }
0x59: {  	_ =	shalt  }
0x5a: {  	_ =	shalt  }
0x5b: {  	_ =	shalt  }
0x5c: {  	_ =	shalt  }
0x5d: {  	_ =	shalt  }
0x5e: {  	_ =	shalt  }
0x5f: {  	_ =	shalt  }
0x60: {  	_ =	shalt  }
0x61: {  	_ =	shalt  }
0x62: {  	_ =	shalt  }
0x63: {  	_ =	shalt  }
0x64: {  	_ =	shalt  }
0x65: {  	_ =	shalt  }
0x66: {  	_ =	shalt  }
0x67: {  	_ =	shalt  }
0x68: {  	_ =	shalt  }
0x69: {  	_ =	shalt  }
0x6a: {  	_ =	shalt  }
0x6b: {  	_ =	shalt  }
0x6c: {  	_ =	shalt  }
0x6d: {  	_ =	shalt  }
0x6e: {  	_ =	shalt  }
0x6f: {  	_ =	shalt  }
0x70: {  	_ =	shalt  }
0x71: {  	_ =	shalt  }
0x72: {  	_ =	shalt  }
0x73: {  	_ =	shalt  }
0x74: {  	_ =	shalt  }
0x75: {  	_ =	shalt  }
0x76: {  	_ =	shalt  }
0x77: {  	_ =	shalt  }
0x78: {  	_ =	shalt  }
0x79: {  	_ =	shalt  }
0x7a: {  	_ =	shalt  }
0x7b: {  	_ =	shalt  }
0x7c: {  	_ =	shalt  }
0x7d: {  	_ =	shalt  }
0x7e: {  	_ =	shalt  }
0x7f: {  	_ =	shalt  }
0x80: {  	_ =	shalt  }
0x81: {  	_ =	shalt  }
0x82: {  	_ =	shalt  }
0x83: {  	_ =	shalt  }
0x84: {  	_ =	shalt  }
0x85: {  	_ =	shalt  }
0x86: {  	_ =	shalt  }
0x87: {  	_ =	shalt  }
.Lfunc_end0:
.L_simem_size_0:
called_computation_lowered:
.L_overlay_start_0:
0x88: {  	s2 =	sld [smem:$0x3FD9]  }
0x89: {  	s3 =	sld [smem:$0x3FFE];
	_ =	sdelay $0x1  }
0x8a: {  	s1 =	srdreg.scid  }
0x8b: {  	s0 =	sand.u32 $0x1, s1  }
0x8c: {  	s17 =	sshll.u32 s0, $0xA;
	s2 =	sadd.s32 s3, s2  }
0x8d: {  	s2 =	sadd.s32 s2, s17  }
0x8e: {  	[smem:$0x3FC4] =	sst s2  }
0x8f: {  	_ = 	snop  }
0x90: {  	s2 =	sld [smem:$0x3FD0];
	(tm) =	ssettm $0x1  }
0x91: {  	s18 =	sld [smem:$0x3FFB];
	_ =	sdelay $0x3  }
0x92: {  	_ =	strace s18  }
0x93: {  	s3 =	sld [smem:$0x3FFC];
	_ =	sdelay $0x3  }
0x94: {  	_ =	strace s3  }
0x95: {  	s3 =	sld [smem:$0x3FFD];
	_ =	sdelay $0x3  }
0x96: {  	_ =	strace s3  }
0x97: {  	_ =	strace $0x8FFFFFFF  }
0x98: {  	s19 =	sld [smem:$0x3FDB];
	_ =	sdelay $0x1  }
0x99: {  	s4 =	simm.s32 $_scs_section_size  }
0x9a: {  	s5 =	simm.s32 $_size__tile_overlayer_lowered;
	s6 =	simm.s32 $_tile_overlayer_lowered  }
0x9b: {  	s22 =	simm.s32 $0x1BFF;
	s21 =	sshll.u32 s6, $0x1;
	s3 =	sadd.s32 s4, s19  }
0x9c: {  	s7 =	simm.s32 $0x0;
	s20 =	sshll.u32 s5, $0x1;
	s5 =	sadd.s32 s21, s3  }
0x9d: {  	[timem:s7], [sflag:s22] =	dma.local [hbm:s5], s20  }
0x9e: {  	_ =	swait.ge [sflag:s22], s20  }
0x9f: {  	s4 =	ssub.s32 $0x0, s20;
	[sflag:s22] =	ssyncset.done $0x0  }
0xa0: {  	[sflag:s22] =	ssyncadd.s32 s4;
	_ =	sdelay $0x1  }
0xa1: {  	s23 =	simm.s32 $0x1B8B  }
0xa2: {  	_ =	swait.ge [sflag:s23], $0x1  }
0xa3: {  	[sflag:s23] =	ssyncset.done $0x0  }
0xa4: {  	s25 =	simm.s32 $0x1B8E;
	s24 =	sld [smem:$0x3FFE];
	[sflag:s23] =	ssyncadd.s32 $0xFFFFFFFF  }
0xa5: {  	s26 =	simm.s32 $execute0_lowered;
	[smem:$0x3FD2] =	sst s25  }
0xa6: {  	s5 =	sshll.u32 s26, $0x1;
	_ =	strace $0x80000046;
	[dreg:$0x1] =	wrdreg $0xFFFFFFFF  }
0xa7: {  	s28 =	simm.s32 $_size_execute0_lowered;
	s3 =	sadd.s32 s3, s5;
	[dreg:$0x0] =	wrdreg $0x0  }
0xa8: {  	s5 =	sshll.u32 s28, $0x1;
	[dreg:$0x2] =	wrdreg s3  }
0xa9: {  	[dreg:$0x3] =	wrdreg s5  }
0xaa: {  	[dreg:$0x4] =	wrdreg $0xC0  }
0xab: {  	_ =	task [dreg:s7], $0x5FFFF  }
0xac: {  	[dreg:$0x1] =	wrdreg $0xFFFFFFFF  }
0xad: {  	[dreg:$0x0] =	wrdreg $0x60  }
0xae: {  	[dreg:$0x2] =	wrdreg s24  }
0xaf: {  	[dreg:$0x3] =	wrdreg s2  }
0xb0: {  	[dreg:$0x4] =	wrdreg $0x92000  }
0xb1: {  	[dreg:$0x5] =	wrdreg $0x9  }
0xb2: {  	_ =	task.clear_ibuf [dreg:s7], $0x6FFFF;
	_ =	strace $0x90000046  }
0xb3: {  	s29 =	simm.s32 $0x9;
	_ =	strace $0x80000048  }
0xb4: {  	_ =	swait.ge [sflag:s29], $0x1  }
0xb5: {  	[sflag:s29] =	ssyncadd.s32 $0xFFFFFFFF  }
0xb6: {  	_ =	strace $0x90000048  }
0xb7: {  	_ =	sfence  }
0xb8: {  	s30 =	sld [smem:$0x0];
	_ =	sdelay $0x2  }
0xb9: {  	s31 =	sshll.u32 s1, $0xD;
	s1 =	sshrl.u32 s1, $0x2  }
0xba: {  	s3 =	sand.u32 $0x4000, s31;
	s1 =	sadd.s32 s1, s30  }
0xbb: {  	s0 =	sor.u32 s3, s0;
	s1 =	sshll.u32 s1, $0x11  }
0xbc: {  	s0 =	sor.u32 s1, s0  }
0xbd: {  	s0 =	sadd.s32 $0x8F2B, s0  }
0xbe: {  	[sflag:s0] =	ssyncadd.remote.s32 $0x1  }
0xbf: {  	_ =	sfence.sel $0xFFFF  }
0xc0: {  	[dreg:$0x0] =	wrdreg $0xFFFFFFFF;
	(pc) =	sbr.abs _section_cstart, $3  }
0xc1: {  	[dreg:$0x1] =	wrdreg $0xFFFFFFFF  }
0xc2: {  	_ =	task.clear_ibuf [dreg:s7], $0x2FFFF;
	_ =	strace $0x9FFFFFFF  }
0xc3: {  	(tm) =	ssettm $0x7FFFFFFF  }
tec
execute0_lowered:
.L_overlay_start_1:
0x0: {  	(tag) =	ssettag $0x1  }
0x1: {  	s1 =	rddreg [dreg:$0x0]  }
0x2: {  	s0 =	rddreg [dreg:$0x1]  }
0x3: {  	s2 =	rddreg [dreg:$0x2]  }
0x4: {  	s4 =	srdreg.scid;
	s14 =	stileid.u32;
	s3 =	simm.s32 $0x0  }
0x5: {  	s28 =	simm.s32 $0x7;
	s5 =	sand.u32 $0x1, s4;
	s6 =	smul.u32 $0x16800, s14  }
0x6: {  	[smem:$0x7FF] =	sst s3;
	s4 =	sadd.s32 $0xA000, s1;
	s10 =	smul.u32 $0x5A000, s14  }
0x7: {  	s11 =	sadd.s32 $0x200, s1;
	s17 =	sshll.u32 s14, $0x6;
	s13 =	smul.u32 $0x2D00, s14  }
0x8: {  	s7 =	smul.u32 $0x168000, s5;
	_ =	strace $0x80000047;
	s8 =	ssub.s32 $0x2, s5  }
0x9: {  	p0 =	seq.s32 s5, $0x0;
	s5 =	smul.u32 $0x2140, s14;
	s9 =	sshrl.u32 s8, $0x1  }
0xa: {  	s18 =	sshrl.u32 s10, $0x2;
	s13 =	sadd.s32 $0x21400, s13;
	s7 =	sadd.s32 s6, s7  }
0xb: {  	s9 =	ssub.s32 s8, s9;
	s6 =	sadd.s32 s6, s2;
	s19 =	sadd.s32 s18, s2  }
0xc: {  	s8 =	simm.s32 $0x85;
	s13 =	smov.u32 @p0 s5;
	s7 =	sshrl.u32 s7, $0x3  }
0xd: {  	[dreg:$0xf] =	wrdreg s6;
	s6 =	sadd.s32 $0x36700, s1;
	s8 =	simm.s32 @!p0 $0xB4  }
0xe: {  	s10 =	sadd.s32 $0x4800, s19;
	s18 =	sadd.s32 $0xD800, s19;
	s20 =	sadd.s32 $0xFFFFFFFF, s8  }
0xf: {  	s13 =	sshrl.u32 s13, $0x3;
	s21 =	sadd.s32 $0xFFFFFFFE, s8;
	[dreg:$0x6] =	wrdreg s20  }
0x10: {  	s12 =	sadd.s32 s7, s1;
	s15 =	sadd.s32 s0, s13;
	[dreg:$0x9] =	wrdreg s21  }
0x11: {  	s7 =	sor.u32 $0x1C09, s17;
	s22 =	sadd.s32 $0xFFFFFFFD, s8;
	[dreg:$0x10] =	wrdreg s15  }
0x12: {  	s23 =	sadd.s32 $0x28, s13;
	s31 =	sadd.s32 s11, s13;
	[dreg:$0xc] =	wrdreg s22  }
0x13: {  	s17 =	sadd.s32 $0x9000, s19;
	s24 =	sadd.s32 s23, s11;
	[dreg:$0x11] =	wrdreg s31  }
0x14: {  	s26 =	sadd.s32 $0x20, s13;
	s25 =	sadd.s32 s23, s0;
	[dreg:$0xe] =	wrdreg s24  }
0x15: {  	s1 =	sadd.s32 $0x12000, s19;
	s15 =	sadd.s32 s26, s11;
	[dreg:$0xd] =	wrdreg s25  }
0x16: {  	s19 =	sadd.s32 $0x18, s13;
	s16 =	sadd.s32 s26, s0;
	[dreg:$0xb] =	wrdreg s15  }
0x17: {  	s29 =	simm.s32 $0x8;
	s21 =	sadd.s32 s19, s11;
	[dreg:$0xa] =	wrdreg s16  }
0x18: {  	s30 =	simm.s32 $0x0;
	s22 =	sadd.s32 s19, s0;
	[dreg:$0x8] =	wrdreg s21  }
0x19: {  	s18 =	sshrl.u32 s18, $0x3;
	s26 =	smax.u32 s9, $0x1;
	[dreg:$0x7] =	wrdreg s22  }
0x1a: {  	s20 =	sadd.s32 $0x8, s13;
	s31 =	sshrl.u32 s10, $0x3;
	[dreg:$0x15] =	wrdreg s26  }
0x1b: {  	s13 =	sadd.s32 $0x10, s13;
	s23 =	sadd.s32 s0, s20;
	[dreg:$0x16] =	wrdreg s31  }
0x1c: {  	s24 =	sadd.s32 s13, s11;
	s11 =	sadd.s32 s11, s20;
	[dreg:$0x12] =	wrdreg s23  }
0x1d: {  	s17 =	sshrl.u32 s17, $0x3;
	s19 =	sshrl.u32 s1, $0x3;
	[dreg:$0x13] =	wrdreg s11  }
0x1e: {  	s0 =	sadd.s32 s13, s0;
	s25 =	sadd.s32 $0x37000, s12;
	[dreg:$0x5] =	wrdreg s24  }
0x1f: {  	s15 =	simm.s32 $0x9;
	s21 =	simm.s32 $0x40;
	[dreg:$0x14] =	wrdreg s25  }
0x20: {  	s26 =	simm.s32 $0x6;
	[dreg:$0x4] =	wrdreg s0;
	s25 =	simm.s32 $0x5  }
.LBB2_1:
0x21: {  	s0 =	rddreg [dreg:$0xf]  }
0x22: {  	s31 =	sshrl.u32 s0, $0x3  }
0x23: {  	[spmem:s31], [sflag:s7] =	dma.local [hbm:s6], $0x900  }
0x24: {  	_ =	swait.ge [sflag:s15], $0x900  }
0x25: {  	[sflag:s15] =	ssyncset.done $0x0  }
0x26: {  	s9 =	rddreg [dreg:$0x16];
	[sflag:s15] =	ssyncadd.s32 $0xFFFFF700  }
0x27: {  	[spmem:s9], [sflag:s7] =	dma.local [hbm:s6], $0x900  }
0x28: {  	_ =	swait.ge [sflag:s15], $0x900  }
0x29: {  	[sflag:s15] =	ssyncset.done $0x0  }
0x2a: {  	[sflag:s15] =	ssyncadd.s32 $0xFFFFF700  }
0x2b: {  	[spmem:s17], [sflag:s7] =	dma.local [hbm:s6], $0x900  }
0x2c: {  	_ =	swait.ge [sflag:s15], $0x900  }
0x2d: {  	[sflag:s15] =	ssyncset.done $0x0  }
0x2e: {  	[sflag:s15] =	ssyncadd.s32 $0xFFFFF700  }
0x2f: {  	[spmem:s18], [sflag:s7] =	dma.local [hbm:s6], $0x900  }
0x30: {  	_ =	swait.ge [sflag:s15], $0x900  }
0x31: {  	[sflag:s15] =	ssyncset.done $0x0  }
0x32: {  	[sflag:s15] =	ssyncadd.s32 $0xFFFFF700  }
0x33: {  	[spmem:s19], [sflag:s7] =	dma.local [hbm:s6], $0x900  }
0x34: {  	_ =	swait.ge [sflag:s15], $0x900  }
0x35: {  	[sflag:s15] =	ssyncset.done $0x0  }
0x36: {  	[sflag:s15] =	ssyncadd.s32 $0xFFFFF700  }
0x37: {  	[bflag:$0x0] =	sbarrier.arrive $0xFFFF  }
0x38: {  	s10 =	rddreg [dreg:$0x10]  }
0x39: {  	[tilespmem:s3], [sflag:$0x9] =	stream.linear.gather [hbm4b:s10+s3], $0x40, $0x38;
	[tilespmem:$0x1FA00] =	vst v63  }
0x3a: {  	_ =	swait.ge [sflag:s15], $0x40  }
0x3b: {  	[sflag:s15] =	ssyncset.done $0x0  }
0x3c: {  	s1 =	simm.s32 $0x100;
	s11 =	rddreg [dreg:$0x11];
	[sflag:s15] =	ssyncadd.s32 $0xFFFFFFC0  }
0x3d: {  	[tilespmem:s1], [sflag:$0x9] =	stream.linear.gather [hbm4b:s11+s3], $0x40, $0x38;
	[tilespmem:$0x1FA00] =	vst v63  }
0x3e: {  	_ =	swait.ge [sflag:s15], $0x40  }
0x3f: {  	[sflag:s15] =	ssyncset.done $0x0  }
0x40: {  	s12 =	simm.s32 $0x200;
	[sflag:s15] =	ssyncadd.s32 $0xFFFFFFC0  }
0x41: {  	[tilespmem:s12], [sflag:$0x1] =	stream.indirect.gather [hbm4b:s4+s21], $0x90, s3, s21, $0xb8;
	[tilespmem:$0x1FA00] =	vst v63  }
0x42: {  	s13 =	rddreg [dreg:$0x12]  }
0x43: {  	[tilespmem:s21], [sflag:$0x9] =	stream.linear.gather [hbm4b:s13+s3], $0x40, $0x38;
	[tilespmem:$0x1FA00] =	vst v63  }
0x44: {  	_ =	swait.ge [sflag:s15], $0x40  }
0x45: {  	s16 =	simm.s32 $0x140;
	[sflag:s15] =	ssyncset.done $0x0  }
0x46: {  	p1 =	sle.u32 s8, $0x0;
	s14 =	rddreg [dreg:$0x13];
	[sflag:s15] =	ssyncadd.s32 $0xFFFFFFC0  }
0x47: {  	[tilespmem:s16], [sflag:$0x9] =	stream.linear.gather [hbm4b:s14+s3], $0x40, $0x38;
	[tilespmem:$0x1FA00] =	vst v63  }
0x48: {  	p2 =	sle.u32 @!p1 s8, $0x2;
	_ =	swait.ge [sflag:s15], $0x40  }
0x49: {  	s20 =	simm.s32 $0x2600;
	p0 =	por p2, p1;
	[sflag:s15] =	ssyncset.done $0x0  }
0x4a: {  	s0 =	simm.s32 @!p1 $0x1;
	p3 =	por @!p0 $0x1, $0x1;
	[sflag:s15] =	ssyncadd.s32 $0xFFFFFFC0  }
0x4b: {  	[tilespmem:s20], [sflag:$0x2] =	stream.indirect.gather [hbm4b:s4+s21], $0x90, s21, s21, $0xb8;
	[tilespmem:$0x1FA00] =	vst v63  }
0x4c: {  	p2 =	por @!p1 p3, p2;
	_ =	swait.ge @!p1 [sflag:s0], $0x2400  }
0x4d: {  	p2 =	por p2, p1;
	[sflag:s0] =	ssyncset.done @!p1 $0x0  }
0x4e: {  	[sflag:s0] =	ssyncadd.s32 @!p1 $0xFFFFDC00;
	s0 =	simm.s32 @!p2 $0x7  }
0x4f: {  	s5 =	simm.s32 @!p0 $0x0;
	_ =	swait.ge @!p2 [sflag:s0], $0x2400  }
0x50: {  	s9 =	simm.s32 @!p0 $0x80;
	s1 =	rddreg [dreg:$0x4];
	[sflag:s0] =	ssyncset.done @!p2 $0x0  }
0x51: {  	[sflag:s0] =	ssyncadd.s32 @!p2 $0xFFFFDC00;
	s0 =	simm.s32 @!p0 $0x9;
	s1 =	sadd.s32 @!p0 $0x0, s1  }
0x52: {  	[tilespmem:s9], [sflag:$0x9] =	stream.linear.gather @!p0 [hbm4b:s1+s5], $0x40, $0x38;
	[tilespmem:$0x1FA00] =	vst v63  }
0x53: {  	_ =	swait.ge @!p0 [sflag:s0], $0x40  }
0x54: {  	s1 =	rddreg [dreg:$0x5];
	[sflag:s0] =	ssyncset.done @!p0 $0x0  }
0x55: {  	s10 =	simm.s32 @!p0 $0x180;
	[sflag:s0] =	ssyncadd.s32 @!p0 $0xFFFFFFC0;
	s1 =	sadd.s32 @!p0 $0x0, s1  }
0x56: {  	[tilespmem:s10], [sflag:$0x9] =	stream.linear.gather @!p0 [hbm4b:s1+s5], $0x40, $0x38;
	[tilespmem:$0x1FA00] =	vst v63  }
0x57: {  	_ =	swait.ge @!p0 [sflag:s0], $0x40  }
0x58: {  	s5 =	simm.s32 @!p0 $0x4A00;
	[sflag:s0] =	ssyncset.done @!p0 $0x0  }
0x59: {  	s22 =	rddreg [dreg:$0x6];
	[sflag:s0] =	ssyncadd.s32 @!p0 $0xFFFFFFC0;
	s0 =	simm.s32 @!p0 $0x40  }
0x5a: {  	[tilespmem:s5], [sflag:$0x3] =	stream.indirect.gather @!p0 [hbm4b:s4+s0], $0x90, s9, s0, $0xb8;
	[tilespmem:$0x1FA00] =	vst v63  }
0x5b: {  	s1 =	simm.s32 @!p1 $0x40;
	p0 =	sle.u32 s22, $0x0  }
0x5c: {  	s0 =	simm.s32 @!p1 $0x100;
	s5 =	simm.s32 @!p1 $0x200;
	p2 =	sle.u32 @!p0 s8, $0x3  }
0x5d: {  	[spmem:s2] =	stream.indirect.scatter.add.f32 @!p1 [tilespmem:s5], [sflag:$0x5], $0x90, s0, s1, $0xb8;
	[tilespmem:$0x1FA00] =	vst v63  }
0x5e: {  	p1 =	por p2, p0  }
0x5f: {  	s0 =	simm.s32 @!p0 $0x2;
	p3 =	por @!p1 $0x1, $0x1  }
0x60: {  	_ =	swait.ge @!p0 [sflag:s0], $0x2400;
	p2 =	por @!p0 p3, p2  }
0x61: {  	[sflag:s0] =	ssyncset.done @!p0 $0x0;
	p2 =	por p2, p0  }
0x62: {  	[sflag:s0] =	ssyncadd.s32 @!p0 $0xFFFFDC00;
	s0 =	simm.s32 @!p2 $0x8  }
0x63: {  	s5 =	simm.s32 @!p1 $0x0;
	_ =	swait.ge @!p2 [sflag:s0], $0x2400  }
0x64: {  	s9 =	simm.s32 @!p1 $0xC0;
	s1 =	rddreg [dreg:$0x7];
	[sflag:s0] =	ssyncset.done @!p2 $0x0  }
0x65: {  	[sflag:s0] =	ssyncadd.s32 @!p2 $0xFFFFDC00;
	s0 =	simm.s32 @!p1 $0x9;
	s1 =	sadd.s32 @!p1 $0x0, s1  }
0x66: {  	[tilespmem:s9], [sflag:$0x9] =	stream.linear.gather @!p1 [hbm4b:s1+s5], $0x40, $0x38;
	[tilespmem:$0x1FA00] =	vst v63  }
0x67: {  	_ =	swait.ge @!p1 [sflag:s0], $0x40  }
0x68: {  	s1 =	rddreg [dreg:$0x8];
	[sflag:s0] =	ssyncset.done @!p1 $0x0  }
0x69: {  	s10 =	simm.s32 @!p1 $0x1C0;
	[sflag:s0] =	ssyncadd.s32 @!p1 $0xFFFFFFC0;
	s1 =	sadd.s32 @!p1 $0x0, s1  }
0x6a: {  	[tilespmem:s10], [sflag:$0x9] =	stream.linear.gather @!p1 [hbm4b:s1+s5], $0x40, $0x38;
	[tilespmem:$0x1FA00] =	vst v63  }
0x6b: {  	_ =	swait.ge @!p1 [sflag:s0], $0x40  }
0x6c: {  	s1 =	simm.s32 @!p0 $0x2600;
	s10 =	simm.s32 @!p1 $0x6E00;
	[sflag:s0] =	ssyncset.done @!p1 $0x0  }
0x6d: {  	s23 =	rddreg [dreg:$0x9];
	[sflag:s0] =	ssyncadd.s32 @!p1 $0xFFFFFFC0;
	s0 =	simm.s32 @!p1 $0x40  }
0x6e: {  	[tilespmem:s10], [sflag:$0x4] =	stream.indirect.gather @!p1 [hbm4b:s4+s0], $0x90, s9, s0, $0xb8;
	[tilespmem:$0x1FA00] =	vst v63  }
0x6f: {  	s0 =	simm.s32 @!p0 $0x40;
	s9 =	simm.s32 @!p0 $0x140;
	p1 =	sle.u32 s23, $0x0  }
0x70: {  	[spmem:s2] =	stream.indirect.scatter.add.f32 @!p0 [tilespmem:s1], [sflag:$0x6], $0x90, s9, s0, $0xb8;
	[tilespmem:$0x1FA00] =	vst v63  }
0x71: {  	s0 =	simm.s32 @!p1 $0x3  }
0x72: {  	p0 =	sle.u32 @!p1 s8, $0x4;
	_ =	swait.ge @!p1 [sflag:s0], $0x2400  }
0x73: {  	p0 =	por p0, p1;
	[sflag:s0] =	ssyncset.done @!p1 $0x0  }
0x74: {  	[sflag:s0] =	ssyncadd.s32 @!p1 $0xFFFFDC00;
	s0 =	simm.s32 @!p0 $0x5  }
0x75: {  	_ =	swait.ge @!p0 [sflag:s0], $0x2400  }
0x76: {  	s5 =	simm.s32 @!p0 $0x9;
	s1 =	rddreg [dreg:$0xa];
	[sflag:s0] =	ssyncset.done @!p0 $0x0  }
0x77: {  	[sflag:s0] =	ssyncadd.s32 @!p0 $0xFFFFDC00;
	s0 =	sadd.s32 @!p0 $0x0, s1;
	s1 =	simm.s32 @!p0 $0x0  }
0x78: {  	[tilespmem:s1], [sflag:$0x9] =	stream.linear.gather @!p0 [hbm4b:s0+s1], $0x40, $0x38;
	[tilespmem:$0x1FA00] =	vst v63  }
0x79: {  	_ =	swait.ge @!p0 [sflag:s5], $0x40  }
0x7a: {  	s0 =	rddreg [dreg:$0xb];
	[sflag:s5] =	ssyncset.done @!p0 $0x0  }
0x7b: {  	s9 =	simm.s32 @!p0 $0x100;
	[sflag:s5] =	ssyncadd.s32 @!p0 $0xFFFFFFC0;
	s0 =	sadd.s32 @!p0 $0x0, s0  }
0x7c: {  	[tilespmem:s9], [sflag:$0x9] =	stream.linear.gather @!p0 [hbm4b:s0+s1], $0x40, $0x38;
	[tilespmem:$0x1FA00] =	vst v63  }
0x7d: {  	s20 =	simm.s32 $0x4;
	_ =	swait.ge @!p0 [sflag:s5], $0x40  }
0x7e: {  	s10 =	simm.s32 @!p0 $0x200;
	s0 =	simm.s32 @!p1 $0x4A00;
	[sflag:s5] =	ssyncset.done @!p0 $0x0  }
0x7f: {  	s24 =	rddreg [dreg:$0xc];
	[sflag:s5] =	ssyncadd.s32 @!p0 $0xFFFFFFC0;
	s5 =	simm.s32 @!p0 $0x40  }
0x80: {  	[tilespmem:s10], [sflag:$0x1] =	stream.indirect.gather @!p0 [hbm4b:s4+s5], $0x90, s1, s5, $0xb8;
	[tilespmem:$0x1FA00] =	vst v63  }
0x81: {  	p2 =	sle.u32 s24, $0x0;
	s1 =	simm.s32 @!p1 $0x40;
	s5 =	simm.s32 @!p1 $0x180  }
0x82: {  	[spmem:s2] =	stream.indirect.scatter.add.f32 @!p1 [tilespmem:s0], [sflag:$0x7], $0x90, s5, s1, $0xb8;
	[tilespmem:$0x1FA00] =	vst v63  }
0x83: {  	s22 =	simm.s32 $0x40;
	s23 =	simm.s32 $0x0;
	s0 =	simm.s32 @!p2 $0x4  }
0x84: {  	p0 =	sle.u32 @!p2 s8, $0x5;
	s24 =	simm.s32 @!p2 $0x1C0;
	_ =	swait.ge @!p2 [sflag:s0], $0x2400  }
0x85: {  	s11 =	simm.s32 @!p2 $0x40;
	p3 =	por p0, p2;
	[sflag:s0] =	ssyncset.done @!p2 $0x0  }
0x86: {  	s5 =	simm.s32 @!p3 $0x6;
	s1 =	simm.s32 $0x9;
	[sflag:s0] =	ssyncadd.s32 @!p2 $0xFFFFDC00  }
0x87: {  	s9 =	simm.s32 @!p3 $0x9;
	s12 =	simm.s32 @!p3 $0x0;
	_ =	swait.ge @!p3 [sflag:s5], $0x2400  }
0x88: {  	p1 =	sle.u32 s8, $0x4;
	s10 =	rddreg [dreg:$0xd];
	[sflag:s5] =	ssyncset.done @!p3 $0x0  }
0x89: {  	[sflag:s5] =	ssyncadd.s32 @!p3 $0xFFFFDC00;
	s5 =	sadd.s32 @!p3 $0x0, s10;
	s10 =	simm.s32 @!p3 $0x40  }
0x8a: {  	[tilespmem:s10], [sflag:$0x9] =	stream.linear.gather @!p3 [hbm4b:s5+s12], $0x40, $0x38;
	[tilespmem:$0x1FA00] =	vst v63  }
0x8b: {  	s0 =	simm.s32 $0x20;
	s5 =	simm.s32 @!p2 $0x6E00;
	_ =	swait.ge @!p3 [sflag:s9], $0x40  }
.LBB2_2:
0x8c: {  	s16 =	sadd.s32 @!p1 $0xFFFFFFFD, s1  }
0x8d: {  	s13 =	rddreg [dreg:$0xe];
	[sflag:s9] =	ssyncset.done @!p3 $0x0;
	p5 =	sge.u32 @!p1 s16, s8  }
0x8e: {  	s16 =	simm.s32 @!p3 $0x140;
	[sflag:s9] =	ssyncadd.s32 @!p3 $0xFFFFFFC0;
	s13 =	sadd.s32 @!p3 s23, s13  }
0x8f: {  	[tilespmem:s16], [sflag:$0x9] =	stream.linear.gather @!p3 [hbm4b:s13+s12], $0x40, $0x38;
	[tilespmem:$0x1FA00] =	vst v63  }
0x90: {  	_ =	swait.ge @!p3 [sflag:s9], $0x40  }
0x91: {  	[sflag:s9] =	ssyncset.done @!p3 $0x0  }
0x92: {  	p4 =	por p5, p1;
	s12 =	simm.s32 @!p3 $0x2600;
	[sflag:s9] =	ssyncadd.s32 @!p3 $0xFFFFFFC0  }
0x93: {  	[tilespmem:s12], [sflag:$0x2] =	stream.indirect.gather @!p3 [hbm4b:s4+s10], $0x90, s10, s10, $0xb8;
	[tilespmem:$0x1FA00] =	vst v63  }
0x94: {  	p6 =	seq.s32 @!p4 s0, $0x0;
	s9 =	simm.s32 @!p1 $0x1  }
0x95: {  	[spmem:s2] =	stream.indirect.scatter.add.f32 @!p2 [tilespmem:s5], [sflag:$0x8], $0x90, s24, s11, $0xb8;
	[tilespmem:$0x1FA00] =	vst v63  }
0x96: {  	p5 =	por @!p1 p6, p5;
	_ =	swait.ge @!p1 [sflag:s9], $0x2400  }
0x97: {  	p2 =	por p5, p1;
	[sflag:s9] =	ssyncset.done @!p1 $0x0  }
0x98: {  	s5 =	simm.s32 @!p2 $0x7;
	[sflag:s9] =	ssyncadd.s32 @!p1 $0xFFFFDC00  }
0x99: {  	s23 =	smov.u32 s0;
	s10 =	simm.s32 @!p4 $0x0;
	_ =	swait.ge @!p2 [sflag:s5], $0x2400  }
0x9a: {  	s11 =	simm.s32 @!p4 $0x80;
	[sflag:s5] =	ssyncset.done @!p2 $0x0;
	s9 =	rddreg [dreg:$0x4]  }
0x9b: {  	[sflag:s5] =	ssyncadd.s32 @!p2 $0xFFFFDC00;
	s5 =	simm.s32 @!p4 $0x9;
	s9 =	sadd.s32 @!p4 s23, s9  }
0x9c: {  	[tilespmem:s11], [sflag:$0x9] =	stream.linear.gather @!p4 [hbm4b:s9+s10], $0x40, $0x38;
	[tilespmem:$0x1FA00] =	vst v63  }
0x9d: {  	_ =	swait.ge @!p4 [sflag:s5], $0x40  }
0x9e: {  	s14 =	smov.u32 s22;
	[sflag:s5] =	ssyncset.done @!p4 $0x0;
	s9 =	rddreg [dreg:$0x5]  }
0x9f: {  	s12 =	simm.s32 @!p4 $0x180;
	[sflag:s5] =	ssyncadd.s32 @!p4 $0xFFFFFFC0;
	s9 =	sadd.s32 @!p4 s23, s9  }
0xa0: {  	[tilespmem:s12], [sflag:$0x9] =	stream.linear.gather @!p4 [hbm4b:s9+s10], $0x40, $0x38;
	[tilespmem:$0x1FA00] =	vst v63  }
0xa1: {  	s0 =	smov.u32 s14;
	_ =	swait.ge @!p4 [sflag:s5], $0x40  }
0xa2: {  	s10 =	simm.s32 @!p4 $0x4A00;
	[sflag:s5] =	ssyncset.done @!p4 $0x0;
	s14 =	rddreg [dreg:$0x6]  }
0xa3: {  	[sflag:s5] =	ssyncadd.s32 @!p4 $0xFFFFFFC0;
	s5 =	simm.s32 @!p4 $0x40;
	p2 =	sge.u32 s20, s14  }
0xa4: {  	[tilespmem:s10], [sflag:$0x3] =	stream.indirect.gather @!p4 [hbm4b:s4+s5], $0x90, s11, s5, $0xb8;
	[tilespmem:$0x1FA00] =	vst v63  }
0xa5: {  	s9 =	simm.s32 @!p1 $0x40;
	s12 =	sadd.s32 @!p2 $0xFFFFFFFE, s1  }
0xa6: {  	s5 =	simm.s32 @!p1 $0x100;
	s10 =	simm.s32 @!p1 $0x200;
	p3 =	sge.u32 @!p2 s12, s8  }
0xa7: {  	[spmem:s2] =	stream.indirect.scatter.add.f32 @!p1 [tilespmem:s10], [sflag:$0x5], $0x90, s5, s9, $0xb8;
	[tilespmem:$0x1FA00] =	vst v63  }
0xa8: {  	p1 =	por p3, p2  }
0xa9: {  	s11 =	simm.s32 @!p2 $0x2;
	p4 =	seq.s32 @!p1 s23, $0x0  }
0xaa: {  	_ =	swait.ge @!p2 [sflag:s11], $0x2400;
	p3 =	por @!p2 p4, p3  }
0xab: {  	[sflag:s11] =	ssyncset.done @!p2 $0x0;
	p3 =	por p3, p2  }
0xac: {  	[sflag:s11] =	ssyncadd.s32 @!p2 $0xFFFFDC00;
	s5 =	simm.s32 @!p3 $0x8  }
0xad: {  	s10 =	simm.s32 @!p1 $0x0;
	_ =	swait.ge @!p3 [sflag:s5], $0x2400  }
0xae: {  	s11 =	simm.s32 @!p1 $0xC0;
	[sflag:s5] =	ssyncset.done @!p3 $0x0;
	s9 =	rddreg [dreg:$0x7]  }
0xaf: {  	[sflag:s5] =	ssyncadd.s32 @!p3 $0xFFFFDC00;
	s5 =	simm.s32 @!p1 $0x9;
	s9 =	sadd.s32 @!p1 s23, s9  }
0xb0: {  	[tilespmem:s11], [sflag:$0x9] =	stream.linear.gather @!p1 [hbm4b:s9+s10], $0x40, $0x38;
	[tilespmem:$0x1FA00] =	vst v63  }
0xb1: {  	_ =	swait.ge @!p1 [sflag:s5], $0x40  }
0xb2: {  	[sflag:s5] =	ssyncset.done @!p1 $0x0;
	s9 =	rddreg [dreg:$0x8]  }
0xb3: {  	s12 =	simm.s32 @!p1 $0x1C0;
	[sflag:s5] =	ssyncadd.s32 @!p1 $0xFFFFFFC0;
	s9 =	sadd.s32 @!p1 s23, s9  }
0xb4: {  	[tilespmem:s12], [sflag:$0x9] =	stream.linear.gather @!p1 [hbm4b:s9+s10], $0x40, $0x38;
	[tilespmem:$0x1FA00] =	vst v63  }
0xb5: {  	_ =	swait.ge @!p1 [sflag:s5], $0x40  }
0xb6: {  	s9 =	simm.s32 @!p2 $0x2600;
	s12 =	simm.s32 @!p1 $0x6E00;
	[sflag:s5] =	ssyncset.done @!p1 $0x0  }
0xb7: {  	s16 =	rddreg [dreg:$0x9];
	[sflag:s5] =	ssyncadd.s32 @!p1 $0xFFFFFFC0;
	s5 =	simm.s32 @!p1 $0x40  }
0xb8: {  	[tilespmem:s12], [sflag:$0x4] =	stream.indirect.gather @!p1 [hbm4b:s4+s5], $0x90, s11, s5, $0xb8;
	[tilespmem:$0x1FA00] =	vst v63  }
0xb9: {  	s5 =	simm.s32 @!p2 $0x40;
	s11 =	simm.s32 @!p2 $0x140;
	p1 =	sge.u32 s20, s16  }
0xba: {  	[spmem:s2] =	stream.indirect.scatter.add.f32 @!p2 [tilespmem:s9], [sflag:$0x6], $0x90, s11, s5, $0xb8;
	[tilespmem:$0x1FA00] =	vst v63  }
0xbb: {  	s5 =	simm.s32 @!p1 $0x3;
	s9 =	sadd.s32 @!p1 $0xFFFFFFFF, s1  }
0xbc: {  	_ =	swait.ge @!p1 [sflag:s5], $0x2400;
	p2 =	sge.u32 @!p1 s9, s8  }
0xbd: {  	[sflag:s5] =	ssyncset.done @!p1 $0x0;
	p2 =	por p2, p1  }
0xbe: {  	[sflag:s5] =	ssyncadd.s32 @!p1 $0xFFFFDC00;
	s5 =	simm.s32 @!p2 $0x5  }
0xbf: {  	_ =	swait.ge @!p2 [sflag:s5], $0x2400  }
0xc0: {  	s10 =	simm.s32 @!p2 $0x9;
	[sflag:s5] =	ssyncset.done @!p2 $0x0;
	s9 =	rddreg [dreg:$0xa]  }
0xc1: {  	[sflag:s5] =	ssyncadd.s32 @!p2 $0xFFFFDC00;
	s5 =	sadd.s32 @!p2 s23, s9;
	s9 =	simm.s32 @!p2 $0x0  }
0xc2: {  	[tilespmem:s9], [sflag:$0x9] =	stream.linear.gather @!p2 [hbm4b:s5+s9], $0x40, $0x38;
	[tilespmem:$0x1FA00] =	vst v63  }
0xc3: {  	_ =	swait.ge @!p2 [sflag:s10], $0x40  }
0xc4: {  	[sflag:s10] =	ssyncset.done @!p2 $0x0;
	s5 =	rddreg [dreg:$0xb]  }
0xc5: {  	s11 =	simm.s32 @!p2 $0x100;
	[sflag:s10] =	ssyncadd.s32 @!p2 $0xFFFFFFC0;
	s5 =	sadd.s32 @!p2 s23, s5  }
0xc6: {  	[tilespmem:s11], [sflag:$0x9] =	stream.linear.gather @!p2 [hbm4b:s5+s9], $0x40, $0x38;
	[tilespmem:$0x1FA00] =	vst v63  }
0xc7: {  	s22 =	sadd.s32 $0x20, s22;
	_ =	swait.ge @!p2 [sflag:s10], $0x40  }
0xc8: {  	s12 =	simm.s32 @!p2 $0x200;
	s5 =	simm.s32 @!p1 $0x4A00;
	[sflag:s10] =	ssyncset.done @!p2 $0x0  }
0xc9: {  	s24 =	rddreg [dreg:$0xc];
	[sflag:s10] =	ssyncadd.s32 @!p2 $0xFFFFFFC0;
	s10 =	simm.s32 @!p2 $0x40  }
0xca: {  	[tilespmem:s12], [sflag:$0x1] =	stream.indirect.gather @!p2 [hbm4b:s4+s10], $0x90, s9, s10, $0xb8;
	[tilespmem:$0x1FA00] =	vst v63  }
0xcb: {  	s9 =	simm.s32 @!p1 $0x40;
	s10 =	simm.s32 @!p1 $0x180;
	p2 =	sge.u32 s20, s24  }
0xcc: {  	[spmem:s2] =	stream.indirect.scatter.add.f32 @!p1 [tilespmem:s5], [sflag:$0x7], $0x90, s10, s9, $0xb8;
	[tilespmem:$0x1FA00] =	vst v63  }
0xcd: {  	p0 =	sne.s32 s22, $0x5A0;
	s24 =	simm.s32 @!p2 $0x1C0;
	s5 =	simm.s32 @!p2 $0x4  }
0xce: {  	p1 =	sge.u32 @!p2 s1, s8;
	s1 =	sadd.s32 $0x4, s1;
	_ =	swait.ge @!p2 [sflag:s5], $0x2400  }
0xcf: {  	p3 =	por p1, p2;
	s20 =	sadd.s32 $0xFFFFFFFB, s1;
	[sflag:s5] =	ssyncset.done @!p2 $0x0  }
0xd0: {  	s9 =	simm.s32 @!p3 $0x9;
	[sflag:s5] =	ssyncadd.s32 @!p2 $0xFFFFDC00;
	s5 =	simm.s32 @!p3 $0x6  }
.Ltmp0:
0xd1: {  	s12 =	simm.s32 @!p3 $0x0;
	_ =	swait.ge @!p3 [sflag:s5], $0x2400;
	(pc) =	sbr.rel @p0 .LBB2_2-.Ltmp0, $4  }
0xd2: {  	p1 =	sge.u32 s20, s8;
	[sflag:s5] =	ssyncset.done @!p3 $0x0;
	s10 =	rddreg [dreg:$0xd]  }
0xd3: {  	[sflag:s5] =	ssyncadd.s32 @!p3 $0xFFFFDC00;
	s11 =	sadd.s32 @!p3 s23, s10;
	s10 =	simm.s32 @!p3 $0x40  }
0xd4: {  	[tilespmem:s10], [sflag:$0x9] =	stream.linear.gather @!p3 [hbm4b:s11+s12], $0x40, $0x38;
	[tilespmem:$0x1FA00] =	vst v63  }
0xd5: {  	s5 =	simm.s32 @!p2 $0x6E00;
	s11 =	simm.s32 @!p2 $0x40;
	_ =	swait.ge @!p3 [sflag:s9], $0x40  }
0xd6: {  	s13 =	rddreg [dreg:$0xe];
	[sflag:s9] =	ssyncset.done @!p3 $0x0  }
0xd7: {  	s14 =	simm.s32 @!p3 $0x140;
	[sflag:s9] =	ssyncadd.s32 @!p3 $0xFFFFFFC0;
	s13 =	sadd.s32 @!p3 s23, s13  }
0xd8: {  	[tilespmem:s14], [sflag:$0x9] =	stream.linear.gather @!p3 [hbm4b:s13+s12], $0x40, $0x38;
	[tilespmem:$0x1FA00] =	vst v63  }
0xd9: {  	s12 =	sadd.s32 @!p1 $0xFFFFFFFD, s1;
	_ =	swait.ge @!p3 [sflag:s9], $0x40  }
0xda: {  	p4 =	sge.u32 @!p1 s12, s8;
	[sflag:s9] =	ssyncset.done @!p3 $0x0  }
0xdb: {  	s12 =	simm.s32 @!p3 $0x2600;
	p0 =	por p4, p1;
	[sflag:s9] =	ssyncadd.s32 @!p3 $0xFFFFFFC0  }
0xdc: {  	[tilespmem:s12], [sflag:$0x2] =	stream.indirect.gather @!p3 [hbm4b:s4+s10], $0x90, s10, s10, $0xb8;
	[tilespmem:$0x1FA00] =	vst v63  }
0xdd: {  	s9 =	simm.s32 @!p1 $0x1;
	p3 =	seq.s32 @!p0 s0, $0x0  }
0xde: {  	[spmem:s2] =	stream.indirect.scatter.add.f32 @!p2 [tilespmem:s5], [sflag:$0x8], $0x90, s24, s11, $0xb8;
	[tilespmem:$0x1FA00] =	vst v63  }
0xdf: {  	p2 =	por @!p1 p3, p4;
	_ =	swait.ge @!p1 [sflag:s9], $0x2400  }
0xe0: {  	p2 =	por p2, p1;
	[sflag:s9] =	ssyncset.done @!p1 $0x0  }
0xe1: {  	s5 =	simm.s32 @!p2 $0x7;
	[sflag:s9] =	ssyncadd.s32 @!p1 $0xFFFFDC00  }
0xe2: {  	s10 =	simm.s32 @!p0 $0x0;
	_ =	swait.ge @!p2 [sflag:s5], $0x2400  }
0xe3: {  	s11 =	simm.s32 @!p0 $0x80;
	s9 =	rddreg [dreg:$0x4];
	[sflag:s5] =	ssyncset.done @!p2 $0x0  }
0xe4: {  	[sflag:s5] =	ssyncadd.s32 @!p2 $0xFFFFDC00;
	s5 =	simm.s32 @!p0 $0x9;
	s9 =	sadd.s32 @!p0 s0, s9  }
0xe5: {  	[tilespmem:s11], [sflag:$0x9] =	stream.linear.gather @!p0 [hbm4b:s9+s10], $0x40, $0x38;
	[tilespmem:$0x1FA00] =	vst v63  }
0xe6: {  	_ =	swait.ge @!p0 [sflag:s5], $0x40  }
0xe7: {  	s9 =	rddreg [dreg:$0x5];
	[sflag:s5] =	ssyncset.done @!p0 $0x0  }
0xe8: {  	s12 =	simm.s32 @!p0 $0x180;
	[sflag:s5] =	ssyncadd.s32 @!p0 $0xFFFFFFC0;
	s9 =	sadd.s32 @!p0 s0, s9  }
0xe9: {  	[tilespmem:s12], [sflag:$0x9] =	stream.linear.gather @!p0 [hbm4b:s9+s10], $0x40, $0x38;
	[tilespmem:$0x1FA00] =	vst v63  }
0xea: {  	_ =	swait.ge @!p0 [sflag:s5], $0x40  }
0xeb: {  	s10 =	simm.s32 @!p0 $0x4A00;
	[sflag:s5] =	ssyncset.done @!p0 $0x0  }
0xec: {  	s16 =	rddreg [dreg:$0x6];
	[sflag:s5] =	ssyncadd.s32 @!p0 $0xFFFFFFC0;
	s5 =	simm.s32 @!p0 $0x40  }
0xed: {  	[tilespmem:s10], [sflag:$0x3] =	stream.indirect.gather @!p0 [hbm4b:s4+s5], $0x90, s11, s5, $0xb8;
	[tilespmem:$0x1FA00] =	vst v63  }
0xee: {  	s9 =	simm.s32 @!p1 $0x200;
	p0 =	sge.u32 s20, s16  }
0xef: {  	s5 =	simm.s32 @!p1 $0x100;
	s10 =	simm.s32 @!p1 $0x40;
	s11 =	sadd.s32 @!p0 $0xFFFFFFFE, s1  }
0xf0: {  	[spmem:s2] =	stream.indirect.scatter.add.f32 @!p1 [tilespmem:s9], [sflag:$0x5], $0x90, s5, s10, $0xb8;
	[tilespmem:$0x1FA00] =	vst v63  }
0xf1: {  	p2 =	sge.u32 @!p0 s11, s8  }
0xf2: {  	p1 =	por p2, p0  }
0xf3: {  	s5 =	simm.s32 @!p0 $0x2;
	p3 =	seq.s32 @!p1 s0, $0x0  }
0xf4: {  	_ =	swait.ge @!p0 [sflag:s5], $0x2400;
	p2 =	por @!p0 p3, p2  }
0xf5: {  	[sflag:s5] =	ssyncset.done @!p0 $0x0;
	p2 =	por p2, p0  }
0xf6: {  	[sflag:s5] =	ssyncadd.s32 @!p0 $0xFFFFDC00;
	s5 =	simm.s32 @!p2 $0x8  }
0xf7: {  	s10 =	simm.s32 @!p1 $0x0;
	_ =	swait.ge @!p2 [sflag:s5], $0x2400  }
0xf8: {  	s11 =	simm.s32 @!p1 $0xC0;
	s9 =	rddreg [dreg:$0x7];
	[sflag:s5] =	ssyncset.done @!p2 $0x0  }
0xf9: {  	[sflag:s5] =	ssyncadd.s32 @!p2 $0xFFFFDC00;
	s5 =	simm.s32 @!p1 $0x9;
	s9 =	sadd.s32 @!p1 s0, s9  }
0xfa: {  	[tilespmem:s11], [sflag:$0x9] =	stream.linear.gather @!p1 [hbm4b:s9+s10], $0x40, $0x38;
	[tilespmem:$0x1FA00] =	vst v63  }
0xfb: {  	_ =	swait.ge @!p1 [sflag:s5], $0x40  }
0xfc: {  	s9 =	rddreg [dreg:$0x8];
	[sflag:s5] =	ssyncset.done @!p1 $0x0  }
0xfd: {  	s12 =	simm.s32 @!p1 $0x1C0;
	[sflag:s5] =	ssyncadd.s32 @!p1 $0xFFFFFFC0;
	s9 =	sadd.s32 @!p1 s0, s9  }
0xfe: {  	[tilespmem:s12], [sflag:$0x9] =	stream.linear.gather @!p1 [hbm4b:s9+s10], $0x40, $0x38;
	[tilespmem:$0x1FA00] =	vst v63  }
0xff: {  	_ =	swait.ge @!p1 [sflag:s5], $0x40  }
0x100: {  	s9 =	simm.s32 @!p0 $0x2600;
	s12 =	simm.s32 @!p1 $0x6E00;
	[sflag:s5] =	ssyncset.done @!p1 $0x0  }
0x101: {  	s22 =	rddreg [dreg:$0x9];
	[sflag:s5] =	ssyncadd.s32 @!p1 $0xFFFFFFC0;
	s5 =	simm.s32 @!p1 $0x40  }
0x102: {  	[tilespmem:s12], [sflag:$0x4] =	stream.indirect.gather @!p1 [hbm4b:s4+s5], $0x90, s11, s5, $0xb8;
	[tilespmem:$0x1FA00] =	vst v63  }
0x103: {  	s5 =	simm.s32 @!p0 $0x40;
	s11 =	simm.s32 @!p0 $0x140;
	p1 =	sge.u32 s20, s22  }
0x104: {  	[spmem:s2] =	stream.indirect.scatter.add.f32 @!p0 [tilespmem:s9], [sflag:$0x6], $0x90, s11, s5, $0xb8;
	[tilespmem:$0x1FA00] =	vst v63  }
0x105: {  	s5 =	simm.s32 @!p1 $0x3;
	s9 =	sadd.s32 @!p1 $0xFFFFFFFF, s1  }
0x106: {  	_ =	swait.ge @!p1 [sflag:s5], $0x2400;
	p0 =	sge.u32 @!p1 s9, s8  }
0x107: {  	[sflag:s5] =	ssyncset.done @!p1 $0x0;
	p0 =	por p0, p1  }
0x108: {  	[sflag:s5] =	ssyncadd.s32 @!p1 $0xFFFFDC00;
	s5 =	simm.s32 @!p0 $0x5  }
0x109: {  	_ =	swait.ge @!p0 [sflag:s5], $0x2400  }
0x10a: {  	s10 =	simm.s32 @!p0 $0x9;
	s9 =	rddreg [dreg:$0xa];
	[sflag:s5] =	ssyncset.done @!p0 $0x0  }
0x10b: {  	[sflag:s5] =	ssyncadd.s32 @!p0 $0xFFFFDC00;
	s5 =	sadd.s32 @!p0 s0, s9;
	s9 =	simm.s32 @!p0 $0x0  }
0x10c: {  	[tilespmem:s9], [sflag:$0x9] =	stream.linear.gather @!p0 [hbm4b:s5+s9], $0x40, $0x38;
	[tilespmem:$0x1FA00] =	vst v63  }
0x10d: {  	_ =	swait.ge @!p0 [sflag:s10], $0x40  }
0x10e: {  	s5 =	rddreg [dreg:$0xb];
	[sflag:s10] =	ssyncset.done @!p0 $0x0  }
0x10f: {  	s11 =	simm.s32 @!p0 $0x100;
	[sflag:s10] =	ssyncadd.s32 @!p0 $0xFFFFFFC0;
	s5 =	sadd.s32 @!p0 s0, s5  }
0x110: {  	[tilespmem:s11], [sflag:$0x9] =	stream.linear.gather @!p0 [hbm4b:s5+s9], $0x40, $0x38;
	[tilespmem:$0x1FA00] =	vst v63  }
0x111: {  	_ =	swait.ge @!p0 [sflag:s10], $0x40  }
0x112: {  	s12 =	simm.s32 @!p0 $0x200;
	s5 =	simm.s32 @!p1 $0x4A00;
	[sflag:s10] =	ssyncset.done @!p0 $0x0  }
0x113: {  	s23 =	rddreg [dreg:$0xc];
	[sflag:s10] =	ssyncadd.s32 @!p0 $0xFFFFFFC0;
	s10 =	simm.s32 @!p0 $0x40  }
0x114: {  	[tilespmem:s12], [sflag:$0x1] =	stream.indirect.gather @!p0 [hbm4b:s4+s10], $0x90, s9, s10, $0xb8;
	[tilespmem:$0x1FA00] =	vst v63  }
0x115: {  	s9 =	simm.s32 @!p1 $0x40;
	s10 =	simm.s32 @!p1 $0x180;
	p0 =	sge.u32 s20, s23  }
0x116: {  	[spmem:s2] =	stream.indirect.scatter.add.f32 @!p1 [tilespmem:s5], [sflag:$0x7], $0x90, s10, s9, $0xb8;
	[tilespmem:$0x1FA00] =	vst v63  }
0x117: {  	s5 =	simm.s32 @!p0 $0x4  }
0x118: {  	p1 =	sge.u32 @!p0 s1, s8;
	_ =	swait.ge @!p0 [sflag:s5], $0x2400  }
0x119: {  	p1 =	por p1, p0;
	[sflag:s5] =	ssyncset.done @!p0 $0x0  }
0x11a: {  	s1 =	simm.s32 @!p1 $0x6;
	[sflag:s5] =	ssyncadd.s32 @!p0 $0xFFFFDC00  }
0x11b: {  	s9 =	simm.s32 @!p1 $0x0;
	_ =	swait.ge @!p1 [sflag:s1], $0x2400  }
0x11c: {  	s10 =	simm.s32 @!p1 $0x40;
	s5 =	rddreg [dreg:$0xd];
	[sflag:s1] =	ssyncset.done @!p1 $0x0  }
0x11d: {  	[sflag:s1] =	ssyncadd.s32 @!p1 $0xFFFFDC00;
	s1 =	simm.s32 @!p1 $0x9;
	s5 =	sadd.s32 @!p1 s0, s5  }
0x11e: {  	[tilespmem:s10], [sflag:$0x9] =	stream.linear.gather @!p1 [hbm4b:s5+s9], $0x40, $0x38;
	[tilespmem:$0x1FA00] =	vst v63  }
0x11f: {  	_ =	swait.ge @!p1 [sflag:s1], $0x40  }
0x120: {  	s5 =	rddreg [dreg:$0xe];
	[sflag:s1] =	ssyncset.done @!p1 $0x0  }
0x121: {  	s11 =	simm.s32 @!p1 $0x140;
	[sflag:s1] =	ssyncadd.s32 @!p1 $0xFFFFFFC0;
	s0 =	sadd.s32 @!p1 s0, s5  }
0x122: {  	[tilespmem:s11], [sflag:$0x9] =	stream.linear.gather @!p1 [hbm4b:s0+s9], $0x40, $0x38;
	[tilespmem:$0x1FA00] =	vst v63  }
0x123: {  	_ =	swait.ge @!p1 [sflag:s1], $0x40  }
0x124: {  	[sflag:s1] =	ssyncset.done @!p1 $0x0  }
0x125: {  	s0 =	simm.s32 @!p1 $0x2600;
	[sflag:s1] =	ssyncadd.s32 @!p1 $0xFFFFFFC0  }
0x126: {  	[tilespmem:s0], [sflag:$0x2] =	stream.indirect.gather @!p1 [hbm4b:s4+s10], $0x90, s10, s10, $0xb8;
	[tilespmem:$0x1FA00] =	vst v63  }
0x127: {  	s5 =	simm.s32 @!p0 $0x40;
	s1 =	simm.s32 @!p0 $0x6E00;
	s0 =	simm.s32 @!p0 $0x1C0  }
0x128: {  	[spmem:s2] =	stream.indirect.scatter.add.f32 @!p0 [tilespmem:s1], [sflag:$0x8], $0x90, s0, s5, $0xb8;
	[tilespmem:$0x1FA00] =	vst v63  }
0x129: {  	_ =	swait.ge [sflag:s25], $0x2400  }
0x12a: {  	[sflag:s25] =	ssyncset.done $0x0  }
0x12b: {  	[sflag:s25] =	ssyncadd.s32 $0xFFFFDC00  }
0x12c: {  	_ =	swait.ge [sflag:s26], $0x2400  }
0x12d: {  	[sflag:s26] =	ssyncset.done $0x0  }
0x12e: {  	[sflag:s26] =	ssyncadd.s32 $0xFFFFDC00  }
0x12f: {  	_ =	swait.ge [sflag:s28], $0x2400  }
0x130: {  	[sflag:s28] =	ssyncset.done $0x0  }
0x131: {  	[sflag:s28] =	ssyncadd.s32 $0xFFFFDC00  }
0x132: {  	_ =	swait.ge [sflag:s29], $0x2400  }
0x133: {  	[sflag:s29] =	ssyncset.done $0x0  }
0x134: {  	[sflag:s29] =	ssyncadd.s32 $0xFFFFDC00  }
0x135: {  	[bflag:$0x0] =	sbarrier.arrive $0xFFFF  }
0x136: {  	s24 =	rddreg [dreg:$0x14]  }
0x137: {  	[hbm:s24], [sflag:s7] =	dma.local [spmem:s31], $0x2D00  }
0x138: {  	_ =	swait.ge [sflag:s15], $0x2D00  }
0x139: {  	s30 =	sadd.s32 $0x1, s30;
	s31 =	rddreg [dreg:$0x15]  }
0x13a: {  	p0 =	sne.s32 s30, s31  }
.Ltmp1:
0x13b: {  	_ = 	snop;
	(pc) =	sbr.rel @p0 .LBB2_1-.Ltmp1, $3  }
0x13c: {  	_ =	sdelay $0x1  }
0x13d: {  	[sflag:s15] =	ssyncset.done $0x0  }
0x13e: {  	[sflag:s15] =	ssyncadd.s32 $0xFFFFD300  }
0x13f: {  	_ =	sfence.sel $0x180000  }
0x140: {  	[bflag:$0x0] =	sbarrier.arrive $0xFFFF  }
0x141: {  	_ =	strace $0x90000047  }
0x142: {  	s0 =	stileid.u32;
	[bflag:$0x2] =	sbarrier.arrive $0xFFFF  }
0x143: {  	p0 =	sne.s32 s0, $0x0;
	s0 =	rddreg [dreg:$0x3]  }
0x144: {  	s0 =	sadd.s32 @!p0 $0x100000, s0  }
0x145: {  	[sflag:s0] =	ssyncadd.tile.s32 @!p0 $0x1;
	_ =	shalt  }
.Lfunc_end2:
_tile_overlayer_lowered:
.L_overlay_start_2:
0x146: {  	(tag) =	ssettag $0x2  }
0x147: {  	s0 =	rddreg [dreg:$0x0];
	s2 =	stileid.u32  }
0x148: {  	s1 =	rddreg [dreg:$0x1];
	p0 =	sne.s32 s2, $0x0  }
0x149: {  	s3 =	rddreg [dreg:$0x2];
	[bflag:$0x3] =	sbarrier.arrive $0xFFFF;
	s2 =	simm.s32 @!p0 $0x1C09  }
0x14a: {  	[timem:s3], [sflag:s2] =	dma.local @!p0 [hbm:s0], s1  }
0x14b: {  	s0 =	simm.s32 @!p0 $0x9  }
0x14c: {  	_ =	swait.ge @!p0 [sflag:s0], s1  }
0x14d: {  	s1 =	ssub.s32 @!p0 $0x0, s1;
	[sflag:s0] =	ssyncset.done @!p0 $0x0  }
0x14e: {  	[sflag:s0] =	ssyncadd.s32 @!p0 s1  }
0x14f: {  	[bflag:$0x3] =	sbarrier.arrive $0xFFFF  }
0x150: {  	_ =	shalt  }

</sc_bundles>
